<compile_context>
chip_gen: v7x
topology: tpu7x:2x2x1
jax: 0.10.2.dev20260603
libtpu: 0.0.44.dev20260713+nightly
codegen_flags: <defaults>
</compile_context>

<pallas_src>
import functools

import jax
import jax.numpy as jnp
from jax import lax
from jax.experimental import pallas as pl
from jax.experimental.pallas import tpu as pltpu
from jax.experimental.pallas import tpu_sc as plsc

_SCALE = 8.0


def _make_gather(V, D, N, b_per_w, chunk):
    n_pairs = b_per_w // (2 * chunk)
    mesh = plsc.VectorSubcoreMesh(core_axis_name="c", subcore_axis_name="s")

    @functools.partial(
        pl.kernel,
        mesh=mesh,
        out_type=jax.ShapeDtypeStruct((N, D), jnp.float32),
        scratch_types=[
            pltpu.VMEM((b_per_w,), jnp.int32),
            pltpu.VMEM((chunk, D), jnp.float32),
            pltpu.VMEM((chunk, D), jnp.float32),
            pltpu.SemaphoreType.DMA,
            pltpu.SemaphoreType.DMA,
            pltpu.SemaphoreType.DMA,
            pltpu.SemaphoreType.DMA,
        ],
        compiler_params=pltpu.CompilerParams(use_tc_tiling_on_sc=False),
    )
    def gather_kernel(table_hbm, idx_hbm, out_hbm,
                      idx_v, rows0_v, rows1_v, gs0, gs1, ws0, ws1):
        wid = lax.axis_index("s") * 2 + lax.axis_index("c")
        wbase = wid * b_per_w
        rows = (rows0_v, rows1_v)
        gsem = (gs0, gs1)
        wsem = (ws0, ws1)

        pltpu.sync_copy(idx_hbm.at[pl.ds(wbase, b_per_w)], idx_v)

        def fire_gather(g, b):
            pltpu.async_copy(
                table_hbm.at[idx_v.at[pl.ds(g * chunk, chunk)]],
                rows[b], gsem[b],
            )

        def wait_gather(b):
            pltpu.make_async_copy(
                table_hbm.at[idx_v.at[pl.ds(0, chunk)]], rows[b], gsem[b]
            ).wait()

        def fire_writeback(g, b):
            pltpu.async_copy(
                rows[b], out_hbm.at[pl.ds(wbase + g * chunk, chunk)], wsem[b]
            )

        def wait_writeback(b):
            pltpu.make_async_copy(
                rows[b], out_hbm.at[pl.ds(wbase, chunk)], wsem[b]
            ).wait()

        def scale(b):
            buf = rows[b]

            def scale8(r8, c2):
                r0 = r8 * 8
                for u in range(8):
                    for cc in range(D // 16):
                        buf[r0 + u, pl.ds(cc * 16, 16)] = (
                            buf[r0 + u, pl.ds(cc * 16, 16)] * _SCALE
                        )
                return c2

            lax.fori_loop(0, chunk // 8, scale8, 0)

        fire_gather(0, 0)

        def pair_body(k, carry):
            g0 = 2 * k

            @pl.when(k > 0)
            def _():
                wait_writeback(1)

            fire_gather(g0 + 1, 1)
            wait_gather(0)
            scale(0)
            fire_writeback(g0, 0)

            @pl.when(k < n_pairs - 1)
            def _():
                wait_writeback(0)
                fire_gather(g0 + 2, 0)

            wait_gather(1)
            scale(1)
            fire_writeback(g0 + 1, 1)
            return carry

        lax.fori_loop(0, n_pairs, pair_body, 0)
        wait_writeback(0)
        wait_writeback(1)

    return gather_kernel


def kernel(x, input_embedding_table):
    B, L = x.shape
    V, D = input_embedding_table.shape
    N = B * L
    NW = 32
    b_per_w = N // NW
    chunk = 800
    idx = x.reshape(N)
    out = _make_gather(V, D, N, b_per_w, chunk)(input_embedding_table, idx)
    return out.reshape(B, L, D)

# --- scband reference (transcript-rebuilt; emitter-appended) ---
"""Pipeline reference for scband-embedder-1752346657011 (READ-ONLY COPY).

The authoritative reference and input builder live on the scoring server;
editing this copy changes nothing except your own understanding.
"""

import jax, jax.numpy as jnp
import numpy as np

VOCAB = 1000000
EMBED = 64
B, L = 4096, 200


def setup_inputs(seed: int = 0) -> dict:
    key = jax.random.key(seed)
    k1, k2 = jax.random.split(key)
    x = jax.random.randint(k1, (B, L), 0, VOCAB, dtype=jnp.int32)
    input_embedding_table = jax.random.normal(k2, (VOCAB, EMBED), dtype=jnp.float32)
    return {"x": x, "input_embedding_table": input_embedding_table}


def reference(x, input_embedding_table):
    # Embedder.encode: gather rows from the embedding table, then scale by sqrt(embed_dim)
    out = jnp.take(input_embedding_table, x, axis=0)
    out = out * jnp.sqrt(jnp.asarray(EMBED, dtype=jnp.float32)).astype(out.dtype)
    return out

if __name__ == "__main__":
    import jax
    _d = setup_inputs()
    print(jax.jit(kernel)(*tuple(_d.values())))

</pallas_src>

<mosaic_0001>
#map = affine_map<(d0, d1) -> (0, 0)>
#map1 = affine_map<(d0, d1) -> (0)>
module attributes {stable_mosaic.version = 14 : i64} {
  func.func @gather_kernel(%arg0: i32, %arg1: i32, %arg2: memref<1000000x64xf32, #tpu.memory_space<hbm>>, %arg3: memref<819200xi32, #tpu.memory_space<hbm>>, %arg4: memref<819200x64xf32, #tpu.memory_space<hbm>>, %arg5: memref<25600xi32, #tpu.memory_space<vmem>>, %arg6: memref<800x64xf32, #tpu.memory_space<vmem>>, %arg7: memref<800x64xf32, #tpu.memory_space<vmem>>, %arg8: memref<!tpu.dma_semaphore, #tpu.memory_space<semaphore_mem>>, %arg9: memref<!tpu.dma_semaphore, #tpu.memory_space<semaphore_mem>>, %arg10: memref<!tpu.dma_semaphore, #tpu.memory_space<semaphore_mem>>, %arg11: memref<!tpu.dma_semaphore, #tpu.memory_space<semaphore_mem>>) attributes {dimension_semantics = [#tpu.dimension_semantics<core_parallel>, #tpu.dimension_semantics<subcore_parallel>], iteration_bounds = array<i64: 2, 16>, scalar_prefetch = 0 : i64, scratch_operands = 7 : i64, tpu.core_type = #tpu.core_type<sc_vector_subcore>, window_params = [{transform_indices = #map}, {transform_indices = #map1}, {transform_indices = #map}]} {
    %mul3A = arith.constant 2 : i32
    %mul3A_0 = arith.muli %arg1, %mul3A : i32
    %add3A = arith.addi %mul3A_0, %arg0 : i32
    %mul3A_1 = arith.constant 25600 : i32
    %mul3A_2 = arith.muli %add3A, %mul3A_1 : i32
    "tpu.region"() ({
      %run_scoped3A = tpu.sem_alloc : memref<!tpu.dma_semaphore, #tpu.memory_space<semaphore_mem>>
      %dma_start3A_19 = tpu.memref_slice %arg3[%mul3A_2] : memref<819200xi32, #tpu.memory_space<hbm>> -> memref<25600xi32, #tpu.memory_space<hbm>>
      %dma_start3A_20 = tpu.memref_slice %arg3[%mul3A_2] : memref<819200xi32, #tpu.memory_space<hbm>> -> memref<25600xi32, #tpu.memory_space<hbm>>
      tpu.enqueue_dma source(%dma_start3A_20 : memref<25600xi32, #tpu.memory_space<hbm>>) target(%arg5 : memref<25600xi32, #tpu.memory_space<vmem>>) target_semaphore(%run_scoped3A : memref<!tpu.dma_semaphore, #tpu.memory_space<semaphore_mem>>)
      %dma_wait3A_21 = tpu.memref_slice %arg3[%mul3A_2] : memref<819200xi32, #tpu.memory_space<hbm>> -> memref<25600xi32, #tpu.memory_space<hbm>>
      %dma_wait3A_22 = tpu.memref_slice %arg3[%mul3A_2] : memref<819200xi32, #tpu.memory_space<hbm>> -> memref<25600xi32, #tpu.memory_space<hbm>>
      tpu.wait_dma2 semaphore(%run_scoped3A : memref<!tpu.dma_semaphore, #tpu.memory_space<semaphore_mem>>) src(%dma_wait3A_22 : memref<25600xi32, #tpu.memory_space<hbm>>) dst(%arg5 : memref<25600xi32, #tpu.memory_space<vmem>>)
      tpu.yield
    }) : () -> ()
    %dma_start3A = arith.constant 0 : i32
    %dma_start3A_3 = tpu.memref_slice %arg5[%dma_start3A] : memref<25600xi32, #tpu.memory_space<vmem>> -> memref<800xi32, #tpu.memory_space<vmem>>
    %dma_start3A_4 = arith.constant 0 : i32
    %dma_start3A_5 = arith.constant 0 : i32
    %dma_start3A_6 = tpu.memref_slice %arg2[%dma_start3A_4, %dma_start3A_5] : memref<1000000x64xf32, #tpu.memory_space<hbm>> -> memref<1000000x64xf32, #tpu.memory_space<hbm>>
    tpu.enqueue_indirect_dma source(%dma_start3A_6 : memref<1000000x64xf32, #tpu.memory_space<hbm>>) target(%arg6 : memref<800x64xf32, #tpu.memory_space<vmem>>) offsets(%dma_start3A_3 : memref<800xi32, #tpu.memory_space<vmem>>) semaphore(%arg8 : memref<!tpu.dma_semaphore, #tpu.memory_space<semaphore_mem>>)
    %scan3A = arith.constant 0 : i32
    %scan3A_7 = arith.constant 0 : i32
    %scan3A_8 = arith.constant 16 : i32
    %scan3A_9 = arith.addi %scan3A_7, %scan3A_8 : i32
    %scan3A_10 = arith.constant 1 : i32
    scf.for %scan3A_19 = %scan3A_7 to %scan3A_9 step %scan3A_10  : i32 {
      %mul3A_20 = arith.constant 2 : i32
      %mul3A_21 = arith.muli %mul3A_20, %scan3A_19 : i32
      %gt3A = arith.constant 0 : i32
      %gt3A_22 = arith.cmpi sgt, %scan3A_19, %gt3A : i32
      %convert_element_type3A = arith.extui %gt3A_22 : i1 to i32
      %cond3A = arith.constant 0 : i32
      %cond3A_23 = arith.cmpi ne, %convert_element_type3A, %cond3A : i32
      scf.if %cond3A_23 {
        %dma_wait3A_74 = arith.constant 0 : i32
        %dma_wait3A_75 = tpu.memref_slice %arg4[%mul3A_2, %dma_wait3A_74] : memref<819200x64xf32, #tpu.memory_space<hbm>> -> memref<800x64xf32, #tpu.memory_space<hbm>>
        %dma_wait3A_76 = arith.constant 0 : i32
        %dma_wait3A_77 = tpu.memref_slice %arg4[%mul3A_2, %dma_wait3A_76] : memref<819200x64xf32, #tpu.memory_space<hbm>> -> memref<800x64xf32, #tpu.memory_space<hbm>>
        tpu.wait_dma2 semaphore(%arg11 : memref<!tpu.dma_semaphore, #tpu.memory_space<semaphore_mem>>) src(%arg7 : memref<800x64xf32, #tpu.memory_space<vmem>>) dst(%dma_wait3A_77 : memref<800x64xf32, #tpu.memory_space<hbm>>)
      } else {
      }
      %add3A_24 = arith.constant 1 : i32
      %add3A_25 = arith.addi %mul3A_21, %add3A_24 : i32
      %mul3A_26 = arith.constant 800 : i32
      %mul3A_27 = arith.muli %add3A_25, %mul3A_26 : i32
      %dma_start3A_28 = tpu.memref_slice %arg5[%mul3A_27] : memref<25600xi32, #tpu.memory_space<vmem>> -> memref<800xi32, #tpu.memory_space<vmem>>
      %dma_start3A_29 = arith.constant 0 : i32
      %dma_start3A_30 = arith.constant 0 : i32
      %dma_start3A_31 = tpu.memref_slice %arg2[%dma_start3A_29, %dma_start3A_30] : memref<1000000x64xf32, #tpu.memory_space<hbm>> -> memref<1000000x64xf32, #tpu.memory_space<hbm>>
      tpu.enqueue_indirect_dma source(%dma_start3A_31 : memref<1000000x64xf32, #tpu.memory_space<hbm>>) target(%arg7 : memref<800x64xf32, #tpu.memory_space<vmem>>) offsets(%dma_start3A_28 : memref<800xi32, #tpu.memory_space<vmem>>) semaphore(%arg9 : memref<!tpu.dma_semaphore, #tpu.memory_space<semaphore_mem>>)
      %dma_wait3A_32 = arith.constant 0 : i32
      %dma_wait3A_33 = tpu.memref_slice %arg5[%dma_wait3A_32] : memref<25600xi32, #tpu.memory_space<vmem>> -> memref<800xi32, #tpu.memory_space<vmem>>
      %dma_wait3A_34 = arith.constant 0 : i32
      %dma_wait3A_35 = arith.constant 0 : i32
      %dma_wait3A_36 = tpu.memref_slice %arg2[%dma_wait3A_34, %dma_wait3A_35] : memref<1000000x64xf32, #tpu.memory_space<hbm>> -> memref<1000000x64xf32, #tpu.memory_space<hbm>>
      tpu.wait_indirect_dma semaphore(%arg8 : memref<!tpu.dma_semaphore, #tpu.memory_space<semaphore_mem>>) src(%dma_wait3A_36 : memref<1000000x64xf32, #tpu.memory_space<hbm>>) dst(%arg6 : memref<800x64xf32, #tpu.memory_space<vmem>>)
      %scan3A_37 = arith.constant 0 : i32
      %scan3A_38 = arith.constant 0 : i32
      %scan3A_39 = arith.constant 100 : i32
      %scan3A_40 = arith.addi %scan3A_38, %scan3A_39 : i32
      %scan3A_41 = arith.constant 1 : i32
      scf.for %scan3A_74 = %scan3A_38 to %scan3A_40 step %scan3A_41  : i32 {
        %mul3A_75 = arith.constant 8 : i32
        %mul3A_76 = arith.muli %scan3A_74, %mul3A_75 : i32
        %add3A_77 = arith.constant 0 : i32
        %add3A_78 = arith.addi %mul3A_76, %add3A_77 : i32
        %get3A = arith.index_cast %add3A_78 : i32 to index
        %get3A_79 = arith.constant 0 : index
        %get3A_80 = tpu.vector_load %arg6[%get3A, %get3A_79] {strides = array<i32>} : memref<800x64xf32, #tpu.memory_space<vmem>>, vector<1x16xf32>,
        %get3A_81 = vector.shape_cast %get3A_80 : vector<1x16xf32> to vector<16xf32>
        %mul3A_82 = arith.constant 8.000000e+00 : f32
        %mul3A_83 = vector.broadcast %mul3A_82 : f32 to vector<16xf32>
        %mul3A_84 = arith.mulf %get3A_81, %mul3A_83 : vector<16xf32>
        %add3A_85 = arith.constant 0 : i32
        %add3A_86 = arith.addi %mul3A_76, %add3A_85 : i32
        %swap3A = arith.index_cast %add3A_86 : i32 to index
        %swap3A_87 = arith.constant 0 : index
        %swap3A_88 = tpu.vector_load %arg6[%swap3A, %swap3A_87] {strides = array<i32>} : memref<800x64xf32, #tpu.memory_space<vmem>>, vector<1x16xf32>,
        %swap3A_89 = vector.shape_cast %swap3A_88 : vector<1x16xf32> to vector<16xf32>
        %swap3A_90 = vector.shape_cast %mul3A_84 : vector<16xf32> to vector<1x16xf32>
        tpu.vector_store %arg6[%swap3A, %swap3A_87], %swap3A_90 {strides = array<i32>} : memref<800x64xf32, #tpu.memory_space<vmem>>, vector<1x16xf32>,
        %add3A_91 = arith.constant 0 : i32
        %add3A_92 = arith.addi %mul3A_76, %add3A_91 : i32
        %get3A_93 = arith.index_cast %add3A_92 : i32 to index
        %get3A_94 = arith.constant 16 : index
        %get3A_95 = tpu.vector_load %arg6[%get3A_93, %get3A_94] {strides = array<i32>} : memref<800x64xf32, #tpu.memory_space<vmem>>, vector<1x16xf32>,
        %get3A_96 = vector.shape_cast %get3A_95 : vector<1x16xf32> to vector<16xf32>
        %mul3A_97 = arith.constant 8.000000e+00 : f32
        %mul3A_98 = vector.broadcast %mul3A_97 : f32 to vector<16xf32>
        %mul3A_99 = arith.mulf %get3A_96, %mul3A_98 : vector<16xf32>
        %add3A_100 = arith.constant 0 : i32
        %add3A_101 = arith.addi %mul3A_76, %add3A_100 : i32
        %swap3A_102 = arith.index_cast %add3A_101 : i32 to index
        %swap3A_103 = arith.constant 16 : index
        %swap3A_104 = tpu.vector_load %arg6[%swap3A_102, %swap3A_103] {strides = array<i32>} : memref<800x64xf32, #tpu.memory_space<vmem>>, vector<1x16xf32>,
        %swap3A_105 = vector.shape_cast %swap3A_104 : vector<1x16xf32> to vector<16xf32>
        %swap3A_106 = vector.shape_cast %mul3A_99 : vector<16xf32> to vector<1x16xf32>
        tpu.vector_store %arg6[%swap3A_102, %swap3A_103], %swap3A_106 {strides = array<i32>} : memref<800x64xf32, #tpu.memory_space<vmem>>, vector<1x16xf32>,
        %add3A_107 = arith.constant 0 : i32
        %add3A_108 = arith.addi %mul3A_76, %add3A_107 : i32
        %get3A_109 = arith.index_cast %add3A_108 : i32 to index
        %get3A_110 = arith.constant 32 : index
        %get3A_111 = tpu.vector_load %arg6[%get3A_109, %get3A_110] {strides = array<i32>} : memref<800x64xf32, #tpu.memory_space<vmem>>, vector<1x16xf32>,
        %get3A_112 = vector.shape_cast %get3A_111 : vector<1x16xf32> to vector<16xf32>
        %mul3A_113 = arith.constant 8.000000e+00 : f32
        %mul3A_114 = vector.broadcast %mul3A_113 : f32 to vector<16xf32>
        %mul3A_115 = arith.mulf %get3A_112, %mul3A_114 : vector<16xf32>
        %add3A_116 = arith.constant 0 : i32
        %add3A_117 = arith.addi %mul3A_76, %add3A_116 : i32
        %swap3A_118 = arith.index_cast %add3A_117 : i32 to index
        %swap3A_119 = arith.constant 32 : index
        %swap3A_120 = tpu.vector_load %arg6[%swap3A_118, %swap3A_119] {strides = array<i32>} : memref<800x64xf32, #tpu.memory_space<vmem>>, vector<1x16xf32>,
        %swap3A_121 = vector.shape_cast %swap3A_120 : vector<1x16xf32> to vector<16xf32>
        %swap3A_122 = vector.shape_cast %mul3A_115 : vector<16xf32> to vector<1x16xf32>
        tpu.vector_store %arg6[%swap3A_118, %swap3A_119], %swap3A_122 {strides = array<i32>} : memref<800x64xf32, #tpu.memory_space<vmem>>, vector<1x16xf32>,
        %add3A_123 = arith.constant 0 : i32
        %add3A_124 = arith.addi %mul3A_76, %add3A_123 : i32
        %get3A_125 = arith.index_cast %add3A_124 : i32 to index
        %get3A_126 = arith.constant 48 : index
        %get3A_127 = tpu.vector_load %arg6[%get3A_125, %get3A_126] {strides = array<i32>} : memref<800x64xf32, #tpu.memory_space<vmem>>, vector<1x16xf32>,
        %get3A_128 = vector.shape_cast %get3A_127 : vector<1x16xf32> to vector<16xf32>
        %mul3A_129 = arith.constant 8.000000e+00 : f32
        %mul3A_130 = vector.broadcast %mul3A_129 : f32 to vector<16xf32>
        %mul3A_131 = arith.mulf %get3A_128, %mul3A_130 : vector<16xf32>
        %add3A_132 = arith.constant 0 : i32
        %add3A_133 = arith.addi %mul3A_76, %add3A_132 : i32
        %swap3A_134 = arith.index_cast %add3A_133 : i32 to index
        %swap3A_135 = arith.constant 48 : index
        %swap3A_136 = tpu.vector_load %arg6[%swap3A_134, %swap3A_135] {strides = array<i32>} : memref<800x64xf32, #tpu.memory_space<vmem>>, vector<1x16xf32>,
        %swap3A_137 = vector.shape_cast %swap3A_136 : vector<1x16xf32> to vector<16xf32>
        %swap3A_138 = vector.shape_cast %mul3A_131 : vector<16xf32> to vector<1x16xf32>
        tpu.vector_store %arg6[%swap3A_134, %swap3A_135], %swap3A_138 {strides = array<i32>} : memref<800x64xf32, #tpu.memory_space<vmem>>, vector<1x16xf32>,
        %add3A_139 = arith.constant 1 : i32
        %add3A_140 = arith.addi %mul3A_76, %add3A_139 : i32
        %get3A_141 = arith.index_cast %add3A_140 : i32 to index
        %get3A_142 = arith.constant 0 : index
        %get3A_143 = tpu.vector_load %arg6[%get3A_141, %get3A_142] {strides = array<i32>} : memref<800x64xf32, #tpu.memory_space<vmem>>, vector<1x16xf32>,
        %get3A_144 = vector.shape_cast %get3A_143 : vector<1x16xf32> to vector<16xf32>
        %mul3A_145 = arith.constant 8.000000e+00 : f32
        %mul3A_146 = vector.broadcast %mul3A_145 : f32 to vector<16xf32>
        %mul3A_147 = arith.mulf %get3A_144, %mul3A_146 : vector<16xf32>
        %add3A_148 = arith.constant 1 : i32
        %add3A_149 = arith.addi %mul3A_76, %add3A_148 : i32
        %swap3A_150 = arith.index_cast %add3A_149 : i32 to index
        %swap3A_151 = arith.constant 0 : index
        %swap3A_152 = tpu.vector_load %arg6[%swap3A_150, %swap3A_151] {strides = array<i32>} : memref<800x64xf32, #tpu.memory_space<vmem>>, vector<1x16xf32>,
        %swap3A_153 = vector.shape_cast %swap3A_152 : vector<1x16xf32> to vector<16xf32>
        %swap3A_154 = vector.shape_cast %mul3A_147 : vector<16xf32> to vector<1x16xf32>
        tpu.vector_store %arg6[%swap3A_150, %swap3A_151], %swap3A_154 {strides = array<i32>} : memref<800x64xf32, #tpu.memory_space<vmem>>, vector<1x16xf32>,
        %add3A_155 = arith.constant 1 : i32
        %add3A_156 = arith.addi %mul3A_76, %add3A_155 : i32
        %get3A_157 = arith.index_cast %add3A_156 : i32 to index
        %get3A_158 = arith.constant 16 : index
        %get3A_159 = tpu.vector_load %arg6[%get3A_157, %get3A_158] {strides = array<i32>} : memref<800x64xf32, #tpu.memory_space<vmem>>, vector<1x16xf32>,
        %get3A_160 = vector.shape_cast %get3A_159 : vector<1x16xf32> to vector<16xf32>
        %mul3A_161 = arith.constant 8.000000e+00 : f32
        %mul3A_162 = vector.broadcast %mul3A_161 : f32 to vector<16xf32>
        %mul3A_163 = arith.mulf %get3A_160, %mul3A_162 : vector<16xf32>
        %add3A_164 = arith.constant 1 : i32
        %add3A_165 = arith.addi %mul3A_76, %add3A_164 : i32
        %swap3A_166 = arith.index_cast %add3A_165 : i32 to index
        %swap3A_167 = arith.constant 16 : index
        %swap3A_168 = tpu.vector_load %arg6[%swap3A_166, %swap3A_167] {strides = array<i32>} : memref<800x64xf32, #tpu.memory_space<vmem>>, vector<1x16xf32>,
        %swap3A_169 = vector.shape_cast %swap3A_168 : vector<1x16xf32> to vector<16xf32>
        %swap3A_170 = vector.shape_cast %mul3A_163 : vector<16xf32> to vector<1x16xf32>
        tpu.vector_store %arg6[%swap3A_166, %swap3A_167], %swap3A_170 {strides = array<i32>} : memref<800x64xf32, #tpu.memory_space<vmem>>, vector<1x16xf32>,
        %add3A_171 = arith.constant 1 : i32
        %add3A_172 = arith.addi %mul3A_76, %add3A_171 : i32
        %get3A_173 = arith.index_cast %add3A_172 : i32 to index
        %get3A_174 = arith.constant 32 : index
        %get3A_175 = tpu.vector_load %arg6[%get3A_173, %get3A_174] {strides = array<i32>} : memref<800x64xf32, #tpu.memory_space<vmem>>, vector<1x16xf32>,
        %get3A_176 = vector.shape_cast %get3A_175 : vector<1x16xf32> to vector<16xf32>
        %mul3A_177 = arith.constant 8.000000e+00 : f32
        %mul3A_178 = vector.broadcast %mul3A_177 : f32 to vector<16xf32>
        %mul3A_179 = arith.mulf %get3A_176, %mul3A_178 : vector<16xf32>
        %add3A_180 = arith.constant 1 : i32
        %add3A_181 = arith.addi %mul3A_76, %add3A_180 : i32
        %swap3A_182 = arith.index_cast %add3A_181 : i32 to index
        %swap3A_183 = arith.constant 32 : index
        %swap3A_184 = tpu.vector_load %arg6[%swap3A_182, %swap3A_183] {strides = array<i32>} : memref<800x64xf32, #tpu.memory_space<vmem>>, vector<1x16xf32>,
        %swap3A_185 = vector.shape_cast %swap3A_184 : vector<1x16xf32> to vector<16xf32>
        %swap3A_186 = vector.shape_cast %mul3A_179 : vector<16xf32> to vector<1x16xf32>
        tpu.vector_store %arg6[%swap3A_182, %swap3A_183], %swap3A_186 {strides = array<i32>} : memref<800x64xf32, #tpu.memory_space<vmem>>, vector<1x16xf32>,
        %add3A_187 = arith.constant 1 : i32
        %add3A_188 = arith.addi %mul3A_76, %add3A_187 : i32
        %get3A_189 = arith.index_cast %add3A_188 : i32 to index
        %get3A_190 = arith.constant 48 : index
        %get3A_191 = tpu.vector_load %arg6[%get3A_189, %get3A_190] {strides = array<i32>} : memref<800x64xf32, #tpu.memory_space<vmem>>, vector<1x16xf32>,
        %get3A_192 = vector.shape_cast %get3A_191 : vector<1x16xf32> to vector<16xf32>
        %mul3A_193 = arith.constant 8.000000e+00 : f32
        %mul3A_194 = vector.broadcast %mul3A_193 : f32 to vector<16xf32>
        %mul3A_195 = arith.mulf %get3A_192, %mul3A_194 : vector<16xf32>
        %add3A_196 = arith.constant 1 : i32
        %add3A_197 = arith.addi %mul3A_76, %add3A_196 : i32
        %swap3A_198 = arith.index_cast %add3A_197 : i32 to index
        %swap3A_199 = arith.constant 48 : index
        %swap3A_200 = tpu.vector_load %arg6[%swap3A_198, %swap3A_199] {strides = array<i32>} : memref<800x64xf32, #tpu.memory_space<vmem>>, vector<1x16xf32>,
        %swap3A_201 = vector.shape_cast %swap3A_200 : vector<1x16xf32> to vector<16xf32>
        %swap3A_202 = vector.shape_cast %mul3A_195 : vector<16xf32> to vector<1x16xf32>
        tpu.vector_store %arg6[%swap3A_198, %swap3A_199], %swap3A_202 {strides = array<i32>} : memref<800x64xf32, #tpu.memory_space<vmem>>, vector<1x16xf32>,
        %add3A_203 = arith.constant 2 : i32
        %add3A_204 = arith.addi %mul3A_76, %add3A_203 : i32
        %get3A_205 = arith.index_cast %add3A_204 : i32 to index
        %get3A_206 = arith.constant 0 : index
        %get3A_207 = tpu.vector_load %arg6[%get3A_205, %get3A_206] {strides = array<i32>} : memref<800x64xf32, #tpu.memory_space<vmem>>, vector<1x16xf32>,
        %get3A_208 = vector.shape_cast %get3A_207 : vector<1x16xf32> to vector<16xf32>
        %mul3A_209 = arith.constant 8.000000e+00 : f32
        %mul3A_210 = vector.broadcast %mul3A_209 : f32 to vector<16xf32>
        %mul3A_211 = arith.mulf %get3A_208, %mul3A_210 : vector<16xf32>
        %add3A_212 = arith.constant 2 : i32
        %add3A_213 = arith.addi %mul3A_76, %add3A_212 : i32
        %swap3A_214 = arith.index_cast %add3A_213 : i32 to index
        %swap3A_215 = arith.constant 0 : index
        %swap3A_216 = tpu.vector_load %arg6[%swap3A_214, %swap3A_215] {strides = array<i32>} : memref<800x64xf32, #tpu.memory_space<vmem>>, vector<1x16xf32>,
        %swap3A_217 = vector.shape_cast %swap3A_216 : vector<1x16xf32> to vector<16xf32>
        %swap3A_218 = vector.shape_cast %mul3A_211 : vector<16xf32> to vector<1x16xf32>
        tpu.vector_store %arg6[%swap3A_214, %swap3A_215], %swap3A_218 {strides = array<i32>} : memref<800x64xf32, #tpu.memory_space<vmem>>, vector<1x16xf32>,
        %add3A_219 = arith.constant 2 : i32
        %add3A_220 = arith.addi %mul3A_76, %add3A_219 : i32
        %get3A_221 = arith.index_cast %add3A_220 : i32 to index
        %get3A_222 = arith.constant 16 : index
        %get3A_223 = tpu.vector_load %arg6[%get3A_221, %get3A_222] {strides = array<i32>} : memref<800x64xf32, #tpu.memory_space<vmem>>, vector<1x16xf32>,
        %get3A_224 = vector.shape_cast %get3A_223 : vector<1x16xf32> to vector<16xf32>
        %mul3A_225 = arith.constant 8.000000e+00 : f32
        %mul3A_226 = vector.broadcast %mul3A_225 : f32 to vector<16xf32>
        %mul3A_227 = arith.mulf %get3A_224, %mul3A_226 : vector<16xf32>
        %add3A_228 = arith.constant 2 : i32
        %add3A_229 = arith.addi %mul3A_76, %add3A_228 : i32
        %swap3A_230 = arith.index_cast %add3A_229 : i32 to index
        %swap3A_231 = arith.constant 16 : index
        %swap3A_232 = tpu.vector_load %arg6[%swap3A_230, %swap3A_231] {strides = array<i32>} : memref<800x64xf32, #tpu.memory_space<vmem>>, vector<1x16xf32>,
        %swap3A_233 = vector.shape_cast %swap3A_232 : vector<1x16xf32> to vector<16xf32>
        %swap3A_234 = vector.shape_cast %mul3A_227 : vector<16xf32> to vector<1x16xf32>
        tpu.vector_store %arg6[%swap3A_230, %swap3A_231], %swap3A_234 {strides = array<i32>} : memref<800x64xf32, #tpu.memory_space<vmem>>, vector<1x16xf32>,
        %add3A_235 = arith.constant 2 : i32
        %add3A_236 = arith.addi %mul3A_76, %add3A_235 : i32
        %get3A_237 = arith.index_cast %add3A_236 : i32 to index
        %get3A_238 = arith.constant 32 : index
        %get3A_239 = tpu.vector_load %arg6[%get3A_237, %get3A_238] {strides = array<i32>} : memref<800x64xf32, #tpu.memory_space<vmem>>, vector<1x16xf32>,
        %get3A_240 = vector.shape_cast %get3A_239 : vector<1x16xf32> to vector<16xf32>
        %mul3A_241 = arith.constant 8.000000e+00 : f32
        %mul3A_242 = vector.broadcast %mul3A_241 : f32 to vector<16xf32>
        %mul3A_243 = arith.mulf %get3A_240, %mul3A_242 : vector<16xf32>
        %add3A_244 = arith.constant 2 : i32
        %add3A_245 = arith.addi %mul3A_76, %add3A_244 : i32
        %swap3A_246 = arith.index_cast %add3A_245 : i32 to index
        %swap3A_247 = arith.constant 32 : index
        %swap3A_248 = tpu.vector_load %arg6[%swap3A_246, %swap3A_247] {strides = array<i32>} : memref<800x64xf32, #tpu.memory_space<vmem>>, vector<1x16xf32>,
        %swap3A_249 = vector.shape_cast %swap3A_248 : vector<1x16xf32> to vector<16xf32>
        %swap3A_250 = vector.shape_cast %mul3A_243 : vector<16xf32> to vector<1x16xf32>
        tpu.vector_store %arg6[%swap3A_246, %swap3A_247], %swap3A_250 {strides = array<i32>} : memref<800x64xf32, #tpu.memory_space<vmem>>, vector<1x16xf32>,
        %add3A_251 = arith.constant 2 : i32
        %add3A_252 = arith.addi %mul3A_76, %add3A_251 : i32
        %get3A_253 = arith.index_cast %add3A_252 : i32 to index
        %get3A_254 = arith.constant 48 : index
        %get3A_255 = tpu.vector_load %arg6[%get3A_253, %get3A_254] {strides = array<i32>} : memref<800x64xf32, #tpu.memory_space<vmem>>, vector<1x16xf32>,
        %get3A_256 = vector.shape_cast %get3A_255 : vector<1x16xf32> to vector<16xf32>
        %mul3A_257 = arith.constant 8.000000e+00 : f32
        %mul3A_258 = vector.broadcast %mul3A_257 : f32 to vector<16xf32>
        %mul3A_259 = arith.mulf %get3A_256, %mul3A_258 : vector<16xf32>
        %add3A_260 = arith.constant 2 : i32
        %add3A_261 = arith.addi %mul3A_76, %add3A_260 : i32
        %swap3A_262 = arith.index_cast %add3A_261 : i32 to index
        %swap3A_263 = arith.constant 48 : index
        %swap3A_264 = tpu.vector_load %arg6[%swap3A_262, %swap3A_263] {strides = array<i32>} : memref<800x64xf32, #tpu.memory_space<vmem>>, vector<1x16xf32>,
        %swap3A_265 = vector.shape_cast %swap3A_264 : vector<1x16xf32> to vector<16xf32>
        %swap3A_266 = vector.shape_cast %mul3A_259 : vector<16xf32> to vector<1x16xf32>
        tpu.vector_store %arg6[%swap3A_262, %swap3A_263], %swap3A_266 {strides = array<i32>} : memref<800x64xf32, #tpu.memory_space<vmem>>, vector<1x16xf32>,
        %add3A_267 = arith.constant 3 : i32
        %add3A_268 = arith.addi %mul3A_76, %add3A_267 : i32
        %get3A_269 = arith.index_cast %add3A_268 : i32 to index
        %get3A_270 = arith.constant 0 : index
        %get3A_271 = tpu.vector_load %arg6[%get3A_269, %get3A_270] {strides = array<i32>} : memref<800x64xf32, #tpu.memory_space<vmem>>, vector<1x16xf32>,
        %get3A_272 = vector.shape_cast %get3A_271 : vector<1x16xf32> to vector<16xf32>
        %mul3A_273 = arith.constant 8.000000e+00 : f32
        %mul3A_274 = vector.broadcast %mul3A_273 : f32 to vector<16xf32>
        %mul3A_275 = arith.mulf %get3A_272, %mul3A_274 : vector<16xf32>
        %add3A_276 = arith.constant 3 : i32
        %add3A_277 = arith.addi %mul3A_76, %add3A_276 : i32
        %swap3A_278 = arith.index_cast %add3A_277 : i32 to index
        %swap3A_279 = arith.constant 0 : index
        %swap3A_280 = tpu.vector_load %arg6[%swap3A_278, %swap3A_279] {strides = array<i32>} : memref<800x64xf32, #tpu.memory_space<vmem>>, vector<1x16xf32>,
        %swap3A_281 = vector.shape_cast %swap3A_280 : vector<1x16xf32> to vector<16xf32>
        %swap3A_282 = vector.shape_cast %mul3A_275 : vector<16xf32> to vector<1x16xf32>
        tpu.vector_store %arg6[%swap3A_278, %swap3A_279], %swap3A_282 {strides = array<i32>} : memref<800x64xf32, #tpu.memory_space<vmem>>, vector<1x16xf32>,
        %add3A_283 = arith.constant 3 : i32
        %add3A_284 = arith.addi %mul3A_76, %add3A_283 : i32
        %get3A_285 = arith.index_cast %add3A_284 : i32 to index
        %get3A_286 = arith.constant 16 : index
        %get3A_287 = tpu.vector_load %arg6[%get3A_285, %get3A_286] {strides = array<i32>} : memref<800x64xf32, #tpu.memory_space<vmem>>, vector<1x16xf32>,
        %get3A_288 = vector.shape_cast %get3A_287 : vector<1x16xf32> to vector<16xf32>
        %mul3A_289 = arith.constant 8.000000e+00 : f32
        %mul3A_290 = vector.broadcast %mul3A_289 : f32 to vector<16xf32>
        %mul3A_291 = arith.mulf %get3A_288, %mul3A_290 : vector<16xf32>
        %add3A_292 = arith.constant 3 : i32
        %add3A_293 = arith.addi %mul3A_76, %add3A_292 : i32
        %swap3A_294 = arith.index_cast %add3A_293 : i32 to index
        %swap3A_295 = arith.constant 16 : index
        %swap3A_296 = tpu.vector_load %arg6[%swap3A_294, %swap3A_295] {strides = array<i32>} : memref<800x64xf32, #tpu.memory_space<vmem>>, vector<1x16xf32>,
        %swap3A_297 = vector.shape_cast %swap3A_296 : vector<1x16xf32> to vector<16xf32>
        %swap3A_298 = vector.shape_cast %mul3A_291 : vector<16xf32> to vector<1x16xf32>
        tpu.vector_store %arg6[%swap3A_294, %swap3A_295], %swap3A_298 {strides = array<i32>} : memref<800x64xf32, #tpu.memory_space<vmem>>, vector<1x16xf32>,
        %add3A_299 = arith.constant 3 : i32
        %add3A_300 = arith.addi %mul3A_76, %add3A_299 : i32
        %get3A_301 = arith.index_cast %add3A_300 : i32 to index
        %get3A_302 = arith.constant 32 : index
        %get3A_303 = tpu.vector_load %arg6[%get3A_301, %get3A_302] {strides = array<i32>} : memref<800x64xf32, #tpu.memory_space<vmem>>, vector<1x16xf32>,
        %get3A_304 = vector.shape_cast %get3A_303 : vector<1x16xf32> to vector<16xf32>
        %mul3A_305 = arith.constant 8.000000e+00 : f32
        %mul3A_306 = vector.broadcast %mul3A_305 : f32 to vector<16xf32>
        %mul3A_307 = arith.mulf %get3A_304, %mul3A_306 : vector<16xf32>
        %add3A_308 = arith.constant 3 : i32
        %add3A_309 = arith.addi %mul3A_76, %add3A_308 : i32
        %swap3A_310 = arith.index_cast %add3A_309 : i32 to index
        %swap3A_311 = arith.constant 32 : index
        %swap3A_312 = tpu.vector_load %arg6[%swap3A_310, %swap3A_311] {strides = array<i32>} : memref<800x64xf32, #tpu.memory_space<vmem>>, vector<1x16xf32>,
        %swap3A_313 = vector.shape_cast %swap3A_312 : vector<1x16xf32> to vector<16xf32>
        %swap3A_314 = vector.shape_cast %mul3A_307 : vector<16xf32> to vector<1x16xf32>
        tpu.vector_store %arg6[%swap3A_310, %swap3A_311], %swap3A_314 {strides = array<i32>} : memref<800x64xf32, #tpu.memory_space<vmem>>, vector<1x16xf32>,
        %add3A_315 = arith.constant 3 : i32
        %add3A_316 = arith.addi %mul3A_76, %add3A_315 : i32
        %get3A_317 = arith.index_cast %add3A_316 : i32 to index
        %get3A_318 = arith.constant 48 : index
        %get3A_319 = tpu.vector_load %arg6[%get3A_317, %get3A_318] {strides = array<i32>} : memref<800x64xf32, #tpu.memory_space<vmem>>, vector<1x16xf32>,
        %get3A_320 = vector.shape_cast %get3A_319 : vector<1x16xf32> to vector<16xf32>
        %mul3A_321 = arith.constant 8.000000e+00 : f32
        %mul3A_322 = vector.broadcast %mul3A_321 : f32 to vector<16xf32>
        %mul3A_323 = arith.mulf %get3A_320, %mul3A_322 : vector<16xf32>
        %add3A_324 = arith.constant 3 : i32
        %add3A_325 = arith.addi %mul3A_76, %add3A_324 : i32
        %swap3A_326 = arith.index_cast %add3A_325 : i32 to index
        %swap3A_327 = arith.constant 48 : index
        %swap3A_328 = tpu.vector_load %arg6[%swap3A_326, %swap3A_327] {strides = array<i32>} : memref<800x64xf32, #tpu.memory_space<vmem>>, vector<1x16xf32>,
        %swap3A_329 = vector.shape_cast %swap3A_328 : vector<1x16xf32> to vector<16xf32>
        %swap3A_330 = vector.shape_cast %mul3A_323 : vector<16xf32> to vector<1x16xf32>
        tpu.vector_store %arg6[%swap3A_326, %swap3A_327], %swap3A_330 {strides = array<i32>} : memref<800x64xf32, #tpu.memory_space<vmem>>, vector<1x16xf32>,
        %add3A_331 = arith.constant 4 : i32
        %add3A_332 = arith.addi %mul3A_76, %add3A_331 : i32
        %get3A_333 = arith.index_cast %add3A_332 : i32 to index
        %get3A_334 = arith.constant 0 : index
        %get3A_335 = tpu.vector_load %arg6[%get3A_333, %get3A_334] {strides = array<i32>} : memref<800x64xf32, #tpu.memory_space<vmem>>, vector<1x16xf32>,
        %get3A_336 = vector.shape_cast %get3A_335 : vector<1x16xf32> to vector<16xf32>
        %mul3A_337 = arith.constant 8.000000e+00 : f32
        %mul3A_338 = vector.broadcast %mul3A_337 : f32 to vector<16xf32>
        %mul3A_339 = arith.mulf %get3A_336, %mul3A_338 : vector<16xf32>
        %add3A_340 = arith.constant 4 : i32
        %add3A_341 = arith.addi %mul3A_76, %add3A_340 : i32
        %swap3A_342 = arith.index_cast %add3A_341 : i32 to index
        %swap3A_343 = arith.constant 0 : index
        %swap3A_344 = tpu.vector_load %arg6[%swap3A_342, %swap3A_343] {strides = array<i32>} : memref<800x64xf32, #tpu.memory_space<vmem>>, vector<1x16xf32>,
        %swap3A_345 = vector.shape_cast %swap3A_344 : vector<1x16xf32> to vector<16xf32>
        %swap3A_346 = vector.shape_cast %mul3A_339 : vector<16xf32> to vector<1x16xf32>
        tpu.vector_store %arg6[%swap3A_342, %swap3A_343], %swap3A_346 {strides = array<i32>} : memref<800x64xf32, #tpu.memory_space<vmem>>, vector<1x16xf32>,
        %add3A_347 = arith.constant 4 : i32
        %add3A_348 = arith.addi %mul3A_76, %add3A_347 : i32
        %get3A_349 = arith.index_cast %add3A_348 : i32 to index
        %get3A_350 = arith.constant 16 : index
        %get3A_351 = tpu.vector_load %arg6[%get3A_349, %get3A_350] {strides = array<i32>} : memref<800x64xf32, #tpu.memory_space<vmem>>, vector<1x16xf32>,
        %get3A_352 = vector.shape_cast %get3A_351 : vector<1x16xf32> to vector<16xf32>
        %mul3A_353 = arith.constant 8.000000e+00 : f32
        %mul3A_354 = vector.broadcast %mul3A_353 : f32 to vector<16xf32>
        %mul3A_355 = arith.mulf %get3A_352, %mul3A_354 : vector<16xf32>
        %add3A_356 = arith.constant 4 : i32
        %add3A_357 = arith.addi %mul3A_76, %add3A_356 : i32
        %swap3A_358 = arith.index_cast %add3A_357 : i32 to index
        %swap3A_359 = arith.constant 16 : index
        %swap3A_360 = tpu.vector_load %arg6[%swap3A_358, %swap3A_359] {strides = array<i32>} : memref<800x64xf32, #tpu.memory_space<vmem>>, vector<1x16xf32>,
        %swap3A_361 = vector.shape_cast %swap3A_360 : vector<1x16xf32> to vector<16xf32>
        %swap3A_362 = vector.shape_cast %mul3A_355 : vector<16xf32> to vector<1x16xf32>
        tpu.vector_store %arg6[%swap3A_358, %swap3A_359], %swap3A_362 {strides = array<i32>} : memref<800x64xf32, #tpu.memory_space<vmem>>, vector<1x16xf32>,
        %add3A_363 = arith.constant 4 : i32
        %add3A_364 = arith.addi %mul3A_76, %add3A_363 : i32
        %get3A_365 = arith.index_cast %add3A_364 : i32 to index
        %get3A_366 = arith.constant 32 : index
        %get3A_367 = tpu.vector_load %arg6[%get3A_365, %get3A_366] {strides = array<i32>} : memref<800x64xf32, #tpu.memory_space<vmem>>, vector<1x16xf32>,
        %get3A_368 = vector.shape_cast %get3A_367 : vector<1x16xf32> to vector<16xf32>
        %mul3A_369 = arith.constant 8.000000e+00 : f32
        %mul3A_370 = vector.broadcast %mul3A_369 : f32 to vector<16xf32>
        %mul3A_371 = arith.mulf %get3A_368, %mul3A_370 : vector<16xf32>
        %add3A_372 = arith.constant 4 : i32
        %add3A_373 = arith.addi %mul3A_76, %add3A_372 : i32
        %swap3A_374 = arith.index_cast %add3A_373 : i32 to index
        %swap3A_375 = arith.constant 32 : index
        %swap3A_376 = tpu.vector_load %arg6[%swap3A_374, %swap3A_375] {strides = array<i32>} : memref<800x64xf32, #tpu.memory_space<vmem>>, vector<1x16xf32>,
        %swap3A_377 = vector.shape_cast %swap3A_376 : vector<1x16xf32> to vector<16xf32>
        %swap3A_378 = vector.shape_cast %mul3A_371 : vector<16xf32> to vector<1x16xf32>
        tpu.vector_store %arg6[%swap3A_374, %swap3A_375], %swap3A_378 {strides = array<i32>} : memref<800x64xf32, #tpu.memory_space<vmem>>, vector<1x16xf32>,
        %add3A_379 = arith.constant 4 : i32
        %add3A_380 = arith.addi %mul3A_76, %add3A_379 : i32
        %get3A_381 = arith.index_cast %add3A_380 : i32 to index
        %get3A_382 = arith.constant 48 : index
        %get3A_383 = tpu.vector_load %arg6[%get3A_381, %get3A_382] {strides = array<i32>} : memref<800x64xf32, #tpu.memory_space<vmem>>, vector<1x16xf32>,
        %get3A_384 = vector.shape_cast %get3A_383 : vector<1x16xf32> to vector<16xf32>
        %mul3A_385 = arith.constant 8.000000e+00 : f32
        %mul3A_386 = vector.broadcast %mul3A_385 : f32 to vector<16xf32>
        %mul3A_387 = arith.mulf %get3A_384, %mul3A_386 : vector<16xf32>
        %add3A_388 = arith.constant 4 : i32
        %add3A_389 = arith.addi %mul3A_76, %add3A_388 : i32
        %swap3A_390 = arith.index_cast %add3A_389 : i32 to index
        %swap3A_391 = arith.constant 48 : index
        %swap3A_392 = tpu.vector_load %arg6[%swap3A_390, %swap3A_391] {strides = array<i32>} : memref<800x64xf32, #tpu.memory_space<vmem>>, vector<1x16xf32>,
        %swap3A_393 = vector.shape_cast %swap3A_392 : vector<1x16xf32> to vector<16xf32>
        %swap3A_394 = vector.shape_cast %mul3A_387 : vector<16xf32> to vector<1x16xf32>
        tpu.vector_store %arg6[%swap3A_390, %swap3A_391], %swap3A_394 {strides = array<i32>} : memref<800x64xf32, #tpu.memory_space<vmem>>, vector<1x16xf32>,
        %add3A_395 = arith.constant 5 : i32
        %add3A_396 = arith.addi %mul3A_76, %add3A_395 : i32
        %get3A_397 = arith.index_cast %add3A_396 : i32 to index
        %get3A_398 = arith.constant 0 : index
        %get3A_399 = tpu.vector_load %arg6[%get3A_397, %get3A_398] {strides = array<i32>} : memref<800x64xf32, #tpu.memory_space<vmem>>, vector<1x16xf32>,
        %get3A_400 = vector.shape_cast %get3A_399 : vector<1x16xf32> to vector<16xf32>
        %mul3A_401 = arith.constant 8.000000e+00 : f32
        %mul3A_402 = vector.broadcast %mul3A_401 : f32 to vector<16xf32>
        %mul3A_403 = arith.mulf %get3A_400, %mul3A_402 : vector<16xf32>
        %add3A_404 = arith.constant 5 : i32
        %add3A_405 = arith.addi %mul3A_76, %add3A_404 : i32
        %swap3A_406 = arith.index_cast %add3A_405 : i32 to index
        %swap3A_407 = arith.constant 0 : index
        %swap3A_408 = tpu.vector_load %arg6[%swap3A_406, %swap3A_407] {strides = array<i32>} : memref<800x64xf32, #tpu.memory_space<vmem>>, vector<1x16xf32>,
        %swap3A_409 = vector.shape_cast %swap3A_408 : vector<1x16xf32> to vector<16xf32>
        %swap3A_410 = vector.shape_cast %mul3A_403 : vector<16xf32> to vector<1x16xf32>
        tpu.vector_store %arg6[%swap3A_406, %swap3A_407], %swap3A_410 {strides = array<i32>} : memref<800x64xf32, #tpu.memory_space<vmem>>, vector<1x16xf32>,
        %add3A_411 = arith.constant 5 : i32
        %add3A_412 = arith.addi %mul3A_76, %add3A_411 : i32
        %get3A_413 = arith.index_cast %add3A_412 : i32 to index
        %get3A_414 = arith.constant 16 : index
        %get3A_415 = tpu.vector_load %arg6[%get3A_413, %get3A_414] {strides = array<i32>} : memref<800x64xf32, #tpu.memory_space<vmem>>, vector<1x16xf32>,
        %get3A_416 = vector.shape_cast %get3A_415 : vector<1x16xf32> to vector<16xf32>
        %mul3A_417 = arith.constant 8.000000e+00 : f32
        %mul3A_418 = vector.broadcast %mul3A_417 : f32 to vector<16xf32>
        %mul3A_419 = arith.mulf %get3A_416, %mul3A_418 : vector<16xf32>
        %add3A_420 = arith.constant 5 : i32
        %add3A_421 = arith.addi %mul3A_76, %add3A_420 : i32
        %swap3A_422 = arith.index_cast %add3A_421 : i32 to index
        %swap3A_423 = arith.constant 16 : index
        %swap3A_424 = tpu.vector_load %arg6[%swap3A_422, %swap3A_423] {strides = array<i32>} : memref<800x64xf32, #tpu.memory_space<vmem>>, vector<1x16xf32>,
        %swap3A_425 = vector.shape_cast %swap3A_424 : vector<1x16xf32> to vector<16xf32>
        %swap3A_426 = vector.shape_cast %mul3A_419 : vector<16xf32> to vector<1x16xf32>
        tpu.vector_store %arg6[%swap3A_422, %swap3A_423], %swap3A_426 {strides = array<i32>} : memref<800x64xf32, #tpu.memory_space<vmem>>, vector<1x16xf32>,
        %add3A_427 = arith.constant 5 : i32
        %add3A_428 = arith.addi %mul3A_76, %add3A_427 : i32
        %get3A_429 = arith.index_cast %add3A_428 : i32 to index
        %get3A_430 = arith.constant 32 : index
        %get3A_431 = tpu.vector_load %arg6[%get3A_429, %get3A_430] {strides = array<i32>} : memref<800x64xf32, #tpu.memory_space<vmem>>, vector<1x16xf32>,
        %get3A_432 = vector.shape_cast %get3A_431 : vector<1x16xf32> to vector<16xf32>
        %mul3A_433 = arith.constant 8.000000e+00 : f32
        %mul3A_434 = vector.broadcast %mul3A_433 : f32 to vector<16xf32>
        %mul3A_435 = arith.mulf %get3A_432, %mul3A_434 : vector<16xf32>
        %add3A_436 = arith.constant 5 : i32
        %add3A_437 = arith.addi %mul3A_76, %add3A_436 : i32
        %swap3A_438 = arith.index_cast %add3A_437 : i32 to index
        %swap3A_439 = arith.constant 32 : index
        %swap3A_440 = tpu.vector_load %arg6[%swap3A_438, %swap3A_439] {strides = array<i32>} : memref<800x64xf32, #tpu.memory_space<vmem>>, vector<1x16xf32>,
        %swap3A_441 = vector.shape_cast %swap3A_440 : vector<1x16xf32> to vector<16xf32>
        %swap3A_442 = vector.shape_cast %mul3A_435 : vector<16xf32> to vector<1x16xf32>
        tpu.vector_store %arg6[%swap3A_438, %swap3A_439], %swap3A_442 {strides = array<i32>} : memref<800x64xf32, #tpu.memory_space<vmem>>, vector<1x16xf32>,
        %add3A_443 = arith.constant 5 : i32
        %add3A_444 = arith.addi %mul3A_76, %add3A_443 : i32
        %get3A_445 = arith.index_cast %add3A_444 : i32 to index
        %get3A_446 = arith.constant 48 : index
        %get3A_447 = tpu.vector_load %arg6[%get3A_445, %get3A_446] {strides = array<i32>} : memref<800x64xf32, #tpu.memory_space<vmem>>, vector<1x16xf32>,
        %get3A_448 = vector.shape_cast %get3A_447 : vector<1x16xf32> to vector<16xf32>
        %mul3A_449 = arith.constant 8.000000e+00 : f32
        %mul3A_450 = vector.broadcast %mul3A_449 : f32 to vector<16xf32>
        %mul3A_451 = arith.mulf %get3A_448, %mul3A_450 : vector<16xf32>
        %add3A_452 = arith.constant 5 : i32
        %add3A_453 = arith.addi %mul3A_76, %add3A_452 : i32
        %swap3A_454 = arith.index_cast %add3A_453 : i32 to index
        %swap3A_455 = arith.constant 48 : index
        %swap3A_456 = tpu.vector_load %arg6[%swap3A_454, %swap3A_455] {strides = array<i32>} : memref<800x64xf32, #tpu.memory_space<vmem>>, vector<1x16xf32>,
        %swap3A_457 = vector.shape_cast %swap3A_456 : vector<1x16xf32> to vector<16xf32>
        %swap3A_458 = vector.shape_cast %mul3A_451 : vector<16xf32> to vector<1x16xf32>
        tpu.vector_store %arg6[%swap3A_454, %swap3A_455], %swap3A_458 {strides = array<i32>} : memref<800x64xf32, #tpu.memory_space<vmem>>, vector<1x16xf32>,
        %add3A_459 = arith.constant 6 : i32
        %add3A_460 = arith.addi %mul3A_76, %add3A_459 : i32
        %get3A_461 = arith.index_cast %add3A_460 : i32 to index
        %get3A_462 = arith.constant 0 : index
        %get3A_463 = tpu.vector_load %arg6[%get3A_461, %get3A_462] {strides = array<i32>} : memref<800x64xf32, #tpu.memory_space<vmem>>, vector<1x16xf32>,
        %get3A_464 = vector.shape_cast %get3A_463 : vector<1x16xf32> to vector<16xf32>
        %mul3A_465 = arith.constant 8.000000e+00 : f32
        %mul3A_466 = vector.broadcast %mul3A_465 : f32 to vector<16xf32>
        %mul3A_467 = arith.mulf %get3A_464, %mul3A_466 : vector<16xf32>
        %add3A_468 = arith.constant 6 : i32
        %add3A_469 = arith.addi %mul3A_76, %add3A_468 : i32
        %swap3A_470 = arith.index_cast %add3A_469 : i32 to index
        %swap3A_471 = arith.constant 0 : index
        %swap3A_472 = tpu.vector_load %arg6[%swap3A_470, %swap3A_471] {strides = array<i32>} : memref<800x64xf32, #tpu.memory_space<vmem>>, vector<1x16xf32>,
        %swap3A_473 = vector.shape_cast %swap3A_472 : vector<1x16xf32> to vector<16xf32>
        %swap3A_474 = vector.shape_cast %mul3A_467 : vector<16xf32> to vector<1x16xf32>
        tpu.vector_store %arg6[%swap3A_470, %swap3A_471], %swap3A_474 {strides = array<i32>} : memref<800x64xf32, #tpu.memory_space<vmem>>, vector<1x16xf32>,
        %add3A_475 = arith.constant 6 : i32
        %add3A_476 = arith.addi %mul3A_76, %add3A_475 : i32
        %get3A_477 = arith.index_cast %add3A_476 : i32 to index
        %get3A_478 = arith.constant 16 : index
        %get3A_479 = tpu.vector_load %arg6[%get3A_477, %get3A_478] {strides = array<i32>} : memref<800x64xf32, #tpu.memory_space<vmem>>, vector<1x16xf32>,
        %get3A_480 = vector.shape_cast %get3A_479 : vector<1x16xf32> to vector<16xf32>
        %mul3A_481 = arith.constant 8.000000e+00 : f32
        %mul3A_482 = vector.broadcast %mul3A_481 : f32 to vector<16xf32>
        %mul3A_483 = arith.mulf %get3A_480, %mul3A_482 : vector<16xf32>
        %add3A_484 = arith.constant 6 : i32
        %add3A_485 = arith.addi %mul3A_76, %add3A_484 : i32
        %swap3A_486 = arith.index_cast %add3A_485 : i32 to index
        %swap3A_487 = arith.constant 16 : index
        %swap3A_488 = tpu.vector_load %arg6[%swap3A_486, %swap3A_487] {strides = array<i32>} : memref<800x64xf32, #tpu.memory_space<vmem>>, vector<1x16xf32>,
        %swap3A_489 = vector.shape_cast %swap3A_488 : vector<1x16xf32> to vector<16xf32>
        %swap3A_490 = vector.shape_cast %mul3A_483 : vector<16xf32> to vector<1x16xf32>
        tpu.vector_store %arg6[%swap3A_486, %swap3A_487], %swap3A_490 {strides = array<i32>} : memref<800x64xf32, #tpu.memory_space<vmem>>, vector<1x16xf32>,
        %add3A_491 = arith.constant 6 : i32
        %add3A_492 = arith.addi %mul3A_76, %add3A_491 : i32
        %get3A_493 = arith.index_cast %add3A_492 : i32 to index
        %get3A_494 = arith.constant 32 : index
        %get3A_495 = tpu.vector_load %arg6[%get3A_493, %get3A_494] {strides = array<i32>} : memref<800x64xf32, #tpu.memory_space<vmem>>, vector<1x16xf32>,
        %get3A_496 = vector.shape_cast %get3A_495 : vector<1x16xf32> to vector<16xf32>
        %mul3A_497 = arith.constant 8.000000e+00 : f32
        %mul3A_498 = vector.broadcast %mul3A_497 : f32 to vector<16xf32>
        %mul3A_499 = arith.mulf %get3A_496, %mul3A_498 : vector<16xf32>
        %add3A_500 = arith.constant 6 : i32
        %add3A_501 = arith.addi %mul3A_76, %add3A_500 : i32
        %swap3A_502 = arith.index_cast %add3A_501 : i32 to index
        %swap3A_503 = arith.constant 32 : index
        %swap3A_504 = tpu.vector_load %arg6[%swap3A_502, %swap3A_503] {strides = array<i32>} : memref<800x64xf32, #tpu.memory_space<vmem>>, vector<1x16xf32>,
        %swap3A_505 = vector.shape_cast %swap3A_504 : vector<1x16xf32> to vector<16xf32>
        %swap3A_506 = vector.shape_cast %mul3A_499 : vector<16xf32> to vector<1x16xf32>
        tpu.vector_store %arg6[%swap3A_502, %swap3A_503], %swap3A_506 {strides = array<i32>} : memref<800x64xf32, #tpu.memory_space<vmem>>, vector<1x16xf32>,
        %add3A_507 = arith.constant 6 : i32
        %add3A_508 = arith.addi %mul3A_76, %add3A_507 : i32
        %get3A_509 = arith.index_cast %add3A_508 : i32 to index
        %get3A_510 = arith.constant 48 : index
        %get3A_511 = tpu.vector_load %arg6[%get3A_509, %get3A_510] {strides = array<i32>} : memref<800x64xf32, #tpu.memory_space<vmem>>, vector<1x16xf32>,
        %get3A_512 = vector.shape_cast %get3A_511 : vector<1x16xf32> to vector<16xf32>
        %mul3A_513 = arith.constant 8.000000e+00 : f32
        %mul3A_514 = vector.broadcast %mul3A_513 : f32 to vector<16xf32>
        %mul3A_515 = arith.mulf %get3A_512, %mul3A_514 : vector<16xf32>
        %add3A_516 = arith.constant 6 : i32
        %add3A_517 = arith.addi %mul3A_76, %add3A_516 : i32
        %swap3A_518 = arith.index_cast %add3A_517 : i32 to index
        %swap3A_519 = arith.constant 48 : index
        %swap3A_520 = tpu.vector_load %arg6[%swap3A_518, %swap3A_519] {strides = array<i32>} : memref<800x64xf32, #tpu.memory_space<vmem>>, vector<1x16xf32>,
        %swap3A_521 = vector.shape_cast %swap3A_520 : vector<1x16xf32> to vector<16xf32>
        %swap3A_522 = vector.shape_cast %mul3A_515 : vector<16xf32> to vector<1x16xf32>
        tpu.vector_store %arg6[%swap3A_518, %swap3A_519], %swap3A_522 {strides = array<i32>} : memref<800x64xf32, #tpu.memory_space<vmem>>, vector<1x16xf32>,
        %add3A_523 = arith.constant 7 : i32
        %add3A_524 = arith.addi %mul3A_76, %add3A_523 : i32
        %get3A_525 = arith.index_cast %add3A_524 : i32 to index
        %get3A_526 = arith.constant 0 : index
        %get3A_527 = tpu.vector_load %arg6[%get3A_525, %get3A_526] {strides = array<i32>} : memref<800x64xf32, #tpu.memory_space<vmem>>, vector<1x16xf32>,
        %get3A_528 = vector.shape_cast %get3A_527 : vector<1x16xf32> to vector<16xf32>
        %mul3A_529 = arith.constant 8.000000e+00 : f32
        %mul3A_530 = vector.broadcast %mul3A_529 : f32 to vector<16xf32>
        %mul3A_531 = arith.mulf %get3A_528, %mul3A_530 : vector<16xf32>
        %add3A_532 = arith.constant 7 : i32
        %add3A_533 = arith.addi %mul3A_76, %add3A_532 : i32
        %swap3A_534 = arith.index_cast %add3A_533 : i32 to index
        %swap3A_535 = arith.constant 0 : index
        %swap3A_536 = tpu.vector_load %arg6[%swap3A_534, %swap3A_535] {strides = array<i32>} : memref<800x64xf32, #tpu.memory_space<vmem>>, vector<1x16xf32>,
        %swap3A_537 = vector.shape_cast %swap3A_536 : vector<1x16xf32> to vector<16xf32>
        %swap3A_538 = vector.shape_cast %mul3A_531 : vector<16xf32> to vector<1x16xf32>
        tpu.vector_store %arg6[%swap3A_534, %swap3A_535], %swap3A_538 {strides = array<i32>} : memref<800x64xf32, #tpu.memory_space<vmem>>, vector<1x16xf32>,
        %add3A_539 = arith.constant 7 : i32
        %add3A_540 = arith.addi %mul3A_76, %add3A_539 : i32
        %get3A_541 = arith.index_cast %add3A_540 : i32 to index
        %get3A_542 = arith.constant 16 : index
        %get3A_543 = tpu.vector_load %arg6[%get3A_541, %get3A_542] {strides = array<i32>} : memref<800x64xf32, #tpu.memory_space<vmem>>, vector<1x16xf32>,
        %get3A_544 = vector.shape_cast %get3A_543 : vector<1x16xf32> to vector<16xf32>
        %mul3A_545 = arith.constant 8.000000e+00 : f32
        %mul3A_546 = vector.broadcast %mul3A_545 : f32 to vector<16xf32>
        %mul3A_547 = arith.mulf %get3A_544, %mul3A_546 : vector<16xf32>
        %add3A_548 = arith.constant 7 : i32
        %add3A_549 = arith.addi %mul3A_76, %add3A_548 : i32
        %swap3A_550 = arith.index_cast %add3A_549 : i32 to index
        %swap3A_551 = arith.constant 16 : index
        %swap3A_552 = tpu.vector_load %arg6[%swap3A_550, %swap3A_551] {strides = array<i32>} : memref<800x64xf32, #tpu.memory_space<vmem>>, vector<1x16xf32>,
        %swap3A_553 = vector.shape_cast %swap3A_552 : vector<1x16xf32> to vector<16xf32>
        %swap3A_554 = vector.shape_cast %mul3A_547 : vector<16xf32> to vector<1x16xf32>
        tpu.vector_store %arg6[%swap3A_550, %swap3A_551], %swap3A_554 {strides = array<i32>} : memref<800x64xf32, #tpu.memory_space<vmem>>, vector<1x16xf32>,
        %add3A_555 = arith.constant 7 : i32
        %add3A_556 = arith.addi %mul3A_76, %add3A_555 : i32
        %get3A_557 = arith.index_cast %add3A_556 : i32 to index
        %get3A_558 = arith.constant 32 : index
        %get3A_559 = tpu.vector_load %arg6[%get3A_557, %get3A_558] {strides = array<i32>} : memref<800x64xf32, #tpu.memory_space<vmem>>, vector<1x16xf32>,
        %get3A_560 = vector.shape_cast %get3A_559 : vector<1x16xf32> to vector<16xf32>
        %mul3A_561 = arith.constant 8.000000e+00 : f32
        %mul3A_562 = vector.broadcast %mul3A_561 : f32 to vector<16xf32>
        %mul3A_563 = arith.mulf %get3A_560, %mul3A_562 : vector<16xf32>
        %add3A_564 = arith.constant 7 : i32
        %add3A_565 = arith.addi %mul3A_76, %add3A_564 : i32
        %swap3A_566 = arith.index_cast %add3A_565 : i32 to index
        %swap3A_567 = arith.constant 32 : index
        %swap3A_568 = tpu.vector_load %arg6[%swap3A_566, %swap3A_567] {strides = array<i32>} : memref<800x64xf32, #tpu.memory_space<vmem>>, vector<1x16xf32>,
        %swap3A_569 = vector.shape_cast %swap3A_568 : vector<1x16xf32> to vector<16xf32>
        %swap3A_570 = vector.shape_cast %mul3A_563 : vector<16xf32> to vector<1x16xf32>
        tpu.vector_store %arg6[%swap3A_566, %swap3A_567], %swap3A_570 {strides = array<i32>} : memref<800x64xf32, #tpu.memory_space<vmem>>, vector<1x16xf32>,
        %add3A_571 = arith.constant 7 : i32
        %add3A_572 = arith.addi %mul3A_76, %add3A_571 : i32
        %get3A_573 = arith.index_cast %add3A_572 : i32 to index
        %get3A_574 = arith.constant 48 : index
        %get3A_575 = tpu.vector_load %arg6[%get3A_573, %get3A_574] {strides = array<i32>} : memref<800x64xf32, #tpu.memory_space<vmem>>, vector<1x16xf32>,
        %get3A_576 = vector.shape_cast %get3A_575 : vector<1x16xf32> to vector<16xf32>
        %mul3A_577 = arith.constant 8.000000e+00 : f32
        %mul3A_578 = vector.broadcast %mul3A_577 : f32 to vector<16xf32>
        %mul3A_579 = arith.mulf %get3A_576, %mul3A_578 : vector<16xf32>
        %add3A_580 = arith.constant 7 : i32
        %add3A_581 = arith.addi %mul3A_76, %add3A_580 : i32
        %swap3A_582 = arith.index_cast %add3A_581 : i32 to index
        %swap3A_583 = arith.constant 48 : index
        %swap3A_584 = tpu.vector_load %arg6[%swap3A_582, %swap3A_583] {strides = array<i32>} : memref<800x64xf32, #tpu.memory_space<vmem>>, vector<1x16xf32>,
        %swap3A_585 = vector.shape_cast %swap3A_584 : vector<1x16xf32> to vector<16xf32>
        %swap3A_586 = vector.shape_cast %mul3A_579 : vector<16xf32> to vector<1x16xf32>
        tpu.vector_store %arg6[%swap3A_582, %swap3A_583], %swap3A_586 {strides = array<i32>} : memref<800x64xf32, #tpu.memory_space<vmem>>, vector<1x16xf32>,
      }
      %scan3A_42 = arith.constant 100 : i32
      %mul3A_43 = arith.constant 800 : i32
      %mul3A_44 = arith.muli %mul3A_21, %mul3A_43 : i32
      %add3A_45 = arith.addi %mul3A_2, %mul3A_44 : i32
      %dma_start3A_46 = arith.constant 0 : i32
      %dma_start3A_47 = tpu.memref_slice %arg4[%add3A_45, %dma_start3A_46] : memref<819200x64xf32, #tpu.memory_space<hbm>> -> memref<800x64xf32, #tpu.memory_space<hbm>>
      %dma_start3A_48 = arith.constant 0 : i32
      %dma_start3A_49 = tpu.memref_slice %arg4[%add3A_45, %dma_start3A_48] : memref<819200x64xf32, #tpu.memory_space<hbm>> -> memref<800x64xf32, #tpu.memory_space<hbm>>
      tpu.enqueue_dma source(%arg6 : memref<800x64xf32, #tpu.memory_space<vmem>>) target(%dma_start3A_49 : memref<800x64xf32, #tpu.memory_space<hbm>>) target_semaphore(%arg10 : memref<!tpu.dma_semaphore, #tpu.memory_space<semaphore_mem>>)
      %lt3A = arith.constant 15 : i32
      %lt3A_50 = arith.cmpi slt, %scan3A_19, %lt3A : i32
      %convert_element_type3A_51 = arith.extui %lt3A_50 : i1 to i32
      %cond3A_52 = arith.constant 0 : i32
      %cond3A_53 = arith.cmpi ne, %convert_element_type3A_51, %cond3A_52 : i32
      scf.if %cond3A_53 {
        %dma_wait3A_74 = arith.constant 0 : i32
        %dma_wait3A_75 = tpu.memref_slice %arg4[%mul3A_2, %dma_wait3A_74] : memref<819200x64xf32, #tpu.memory_space<hbm>> -> memref<800x64xf32, #tpu.memory_space<hbm>>
        %dma_wait3A_76 = arith.constant 0 : i32
        %dma_wait3A_77 = tpu.memref_slice %arg4[%mul3A_2, %dma_wait3A_76] : memref<819200x64xf32, #tpu.memory_space<hbm>> -> memref<800x64xf32, #tpu.memory_space<hbm>>
        tpu.wait_dma2 semaphore(%arg10 : memref<!tpu.dma_semaphore, #tpu.memory_space<semaphore_mem>>) src(%arg6 : memref<800x64xf32, #tpu.memory_space<vmem>>) dst(%dma_wait3A_77 : memref<800x64xf32, #tpu.memory_space<hbm>>)
        %add3A_78 = arith.constant 2 : i32
        %add3A_79 = arith.addi %mul3A_21, %add3A_78 : i32
        %mul3A_80 = arith.constant 800 : i32
        %mul3A_81 = arith.muli %add3A_79, %mul3A_80 : i32
        %dma_start3A_82 = tpu.memref_slice %arg5[%mul3A_81] : memref<25600xi32, #tpu.memory_space<vmem>> -> memref<800xi32, #tpu.memory_space<vmem>>
        %dma_start3A_83 = arith.constant 0 : i32
        %dma_start3A_84 = arith.constant 0 : i32
        %dma_start3A_85 = tpu.memref_slice %arg2[%dma_start3A_83, %dma_start3A_84] : memref<1000000x64xf32, #tpu.memory_space<hbm>> -> memref<1000000x64xf32, #tpu.memory_space<hbm>>
        tpu.enqueue_indirect_dma source(%dma_start3A_85 : memref<1000000x64xf32, #tpu.memory_space<hbm>>) target(%arg6 : memref<800x64xf32, #tpu.memory_space<vmem>>) offsets(%dma_start3A_82 : memref<800xi32, #tpu.memory_space<vmem>>) semaphore(%arg8 : memref<!tpu.dma_semaphore, #tpu.memory_space<semaphore_mem>>)
      } else {
      }
      %dma_wait3A_54 = arith.constant 0 : i32
      %dma_wait3A_55 = tpu.memref_slice %arg5[%dma_wait3A_54] : memref<25600xi32, #tpu.memory_space<vmem>> -> memref<800xi32, #tpu.memory_space<vmem>>
      %dma_wait3A_56 = arith.constant 0 : i32
      %dma_wait3A_57 = arith.constant 0 : i32
      %dma_wait3A_58 = tpu.memref_slice %arg2[%dma_wait3A_56, %dma_wait3A_57] : memref<1000000x64xf32, #tpu.memory_space<hbm>> -> memref<1000000x64xf32, #tpu.memory_space<hbm>>
      tpu.wait_indirect_dma semaphore(%arg9 : memref<!tpu.dma_semaphore, #tpu.memory_space<semaphore_mem>>) src(%dma_wait3A_58 : memref<1000000x64xf32, #tpu.memory_space<hbm>>) dst(%arg7 : memref<800x64xf32, #tpu.memory_space<vmem>>)
      %scan3A_59 = arith.constant 0 : i32
      %scan3A_60 = arith.constant 0 : i32
      %scan3A_61 = arith.constant 100 : i32
      %scan3A_62 = arith.addi %scan3A_60, %scan3A_61 : i32
      %scan3A_63 = arith.constant 1 : i32
      scf.for %scan3A_74 = %scan3A_60 to %scan3A_62 step %scan3A_63  : i32 {
        %mul3A_75 = arith.constant 8 : i32
        %mul3A_76 = arith.muli %scan3A_74, %mul3A_75 : i32
        %add3A_77 = arith.constant 0 : i32
        %add3A_78 = arith.addi %mul3A_76, %add3A_77 : i32
        %get3A = arith.index_cast %add3A_78 : i32 to index
        %get3A_79 = arith.constant 0 : index
        %get3A_80 = tpu.vector_load %arg7[%get3A, %get3A_79] {strides = array<i32>} : memref<800x64xf32, #tpu.memory_space<vmem>>, vector<1x16xf32>,
        %get3A_81 = vector.shape_cast %get3A_80 : vector<1x16xf32> to vector<16xf32>
        %mul3A_82 = arith.constant 8.000000e+00 : f32
        %mul3A_83 = vector.broadcast %mul3A_82 : f32 to vector<16xf32>
        %mul3A_84 = arith.mulf %get3A_81, %mul3A_83 : vector<16xf32>
        %add3A_85 = arith.constant 0 : i32
        %add3A_86 = arith.addi %mul3A_76, %add3A_85 : i32
        %swap3A = arith.index_cast %add3A_86 : i32 to index
        %swap3A_87 = arith.constant 0 : index
        %swap3A_88 = tpu.vector_load %arg7[%swap3A, %swap3A_87] {strides = array<i32>} : memref<800x64xf32, #tpu.memory_space<vmem>>, vector<1x16xf32>,
        %swap3A_89 = vector.shape_cast %swap3A_88 : vector<1x16xf32> to vector<16xf32>
        %swap3A_90 = vector.shape_cast %mul3A_84 : vector<16xf32> to vector<1x16xf32>
        tpu.vector_store %arg7[%swap3A, %swap3A_87], %swap3A_90 {strides = array<i32>} : memref<800x64xf32, #tpu.memory_space<vmem>>, vector<1x16xf32>,
        %add3A_91 = arith.constant 0 : i32
        %add3A_92 = arith.addi %mul3A_76, %add3A_91 : i32
        %get3A_93 = arith.index_cast %add3A_92 : i32 to index
        %get3A_94 = arith.constant 16 : index
        %get3A_95 = tpu.vector_load %arg7[%get3A_93, %get3A_94] {strides = array<i32>} : memref<800x64xf32, #tpu.memory_space<vmem>>, vector<1x16xf32>,
        %get3A_96 = vector.shape_cast %get3A_95 : vector<1x16xf32> to vector<16xf32>
        %mul3A_97 = arith.constant 8.000000e+00 : f32
        %mul3A_98 = vector.broadcast %mul3A_97 : f32 to vector<16xf32>
        %mul3A_99 = arith.mulf %get3A_96, %mul3A_98 : vector<16xf32>
        %add3A_100 = arith.constant 0 : i32
        %add3A_101 = arith.addi %mul3A_76, %add3A_100 : i32
        %swap3A_102 = arith.index_cast %add3A_101 : i32 to index
        %swap3A_103 = arith.constant 16 : index
        %swap3A_104 = tpu.vector_load %arg7[%swap3A_102, %swap3A_103] {strides = array<i32>} : memref<800x64xf32, #tpu.memory_space<vmem>>, vector<1x16xf32>,
        %swap3A_105 = vector.shape_cast %swap3A_104 : vector<1x16xf32> to vector<16xf32>
        %swap3A_106 = vector.shape_cast %mul3A_99 : vector<16xf32> to vector<1x16xf32>
        tpu.vector_store %arg7[%swap3A_102, %swap3A_103], %swap3A_106 {strides = array<i32>} : memref<800x64xf32, #tpu.memory_space<vmem>>, vector<1x16xf32>,
        %add3A_107 = arith.constant 0 : i32
        %add3A_108 = arith.addi %mul3A_76, %add3A_107 : i32
        %get3A_109 = arith.index_cast %add3A_108 : i32 to index
        %get3A_110 = arith.constant 32 : index
        %get3A_111 = tpu.vector_load %arg7[%get3A_109, %get3A_110] {strides = array<i32>} : memref<800x64xf32, #tpu.memory_space<vmem>>, vector<1x16xf32>,
        %get3A_112 = vector.shape_cast %get3A_111 : vector<1x16xf32> to vector<16xf32>
        %mul3A_113 = arith.constant 8.000000e+00 : f32
        %mul3A_114 = vector.broadcast %mul3A_113 : f32 to vector<16xf32>
        %mul3A_115 = arith.mulf %get3A_112, %mul3A_114 : vector<16xf32>
        %add3A_116 = arith.constant 0 : i32
        %add3A_117 = arith.addi %mul3A_76, %add3A_116 : i32
        %swap3A_118 = arith.index_cast %add3A_117 : i32 to index
        %swap3A_119 = arith.constant 32 : index
        %swap3A_120 = tpu.vector_load %arg7[%swap3A_118, %swap3A_119] {strides = array<i32>} : memref<800x64xf32, #tpu.memory_space<vmem>>, vector<1x16xf32>,
        %swap3A_121 = vector.shape_cast %swap3A_120 : vector<1x16xf32> to vector<16xf32>
        %swap3A_122 = vector.shape_cast %mul3A_115 : vector<16xf32> to vector<1x16xf32>
        tpu.vector_store %arg7[%swap3A_118, %swap3A_119], %swap3A_122 {strides = array<i32>} : memref<800x64xf32, #tpu.memory_space<vmem>>, vector<1x16xf32>,
        %add3A_123 = arith.constant 0 : i32
        %add3A_124 = arith.addi %mul3A_76, %add3A_123 : i32
        %get3A_125 = arith.index_cast %add3A_124 : i32 to index
        %get3A_126 = arith.constant 48 : index
        %get3A_127 = tpu.vector_load %arg7[%get3A_125, %get3A_126] {strides = array<i32>} : memref<800x64xf32, #tpu.memory_space<vmem>>, vector<1x16xf32>,
        %get3A_128 = vector.shape_cast %get3A_127 : vector<1x16xf32> to vector<16xf32>
        %mul3A_129 = arith.constant 8.000000e+00 : f32
        %mul3A_130 = vector.broadcast %mul3A_129 : f32 to vector<16xf32>
        %mul3A_131 = arith.mulf %get3A_128, %mul3A_130 : vector<16xf32>
        %add3A_132 = arith.constant 0 : i32
        %add3A_133 = arith.addi %mul3A_76, %add3A_132 : i32
        %swap3A_134 = arith.index_cast %add3A_133 : i32 to index
        %swap3A_135 = arith.constant 48 : index
        %swap3A_136 = tpu.vector_load %arg7[%swap3A_134, %swap3A_135] {strides = array<i32>} : memref<800x64xf32, #tpu.memory_space<vmem>>, vector<1x16xf32>,
        %swap3A_137 = vector.shape_cast %swap3A_136 : vector<1x16xf32> to vector<16xf32>
        %swap3A_138 = vector.shape_cast %mul3A_131 : vector<16xf32> to vector<1x16xf32>
        tpu.vector_store %arg7[%swap3A_134, %swap3A_135], %swap3A_138 {strides = array<i32>} : memref<800x64xf32, #tpu.memory_space<vmem>>, vector<1x16xf32>,
        %add3A_139 = arith.constant 1 : i32
        %add3A_140 = arith.addi %mul3A_76, %add3A_139 : i32
        %get3A_141 = arith.index_cast %add3A_140 : i32 to index
        %get3A_142 = arith.constant 0 : index
        %get3A_143 = tpu.vector_load %arg7[%get3A_141, %get3A_142] {strides = array<i32>} : memref<800x64xf32, #tpu.memory_space<vmem>>, vector<1x16xf32>,
        %get3A_144 = vector.shape_cast %get3A_143 : vector<1x16xf32> to vector<16xf32>
        %mul3A_145 = arith.constant 8.000000e+00 : f32
        %mul3A_146 = vector.broadcast %mul3A_145 : f32 to vector<16xf32>
        %mul3A_147 = arith.mulf %get3A_144, %mul3A_146 : vector<16xf32>
        %add3A_148 = arith.constant 1 : i32
        %add3A_149 = arith.addi %mul3A_76, %add3A_148 : i32
        %swap3A_150 = arith.index_cast %add3A_149 : i32 to index
        %swap3A_151 = arith.constant 0 : index
        %swap3A_152 = tpu.vector_load %arg7[%swap3A_150, %swap3A_151] {strides = array<i32>} : memref<800x64xf32, #tpu.memory_space<vmem>>, vector<1x16xf32>,
        %swap3A_153 = vector.shape_cast %swap3A_152 : vector<1x16xf32> to vector<16xf32>
        %swap3A_154 = vector.shape_cast %mul3A_147 : vector<16xf32> to vector<1x16xf32>
        tpu.vector_store %arg7[%swap3A_150, %swap3A_151], %swap3A_154 {strides = array<i32>} : memref<800x64xf32, #tpu.memory_space<vmem>>, vector<1x16xf32>,
        %add3A_155 = arith.constant 1 : i32
        %add3A_156 = arith.addi %mul3A_76, %add3A_155 : i32
        %get3A_157 = arith.index_cast %add3A_156 : i32 to index
        %get3A_158 = arith.constant 16 : index
        %get3A_159 = tpu.vector_load %arg7[%get3A_157, %get3A_158] {strides = array<i32>} : memref<800x64xf32, #tpu.memory_space<vmem>>, vector<1x16xf32>,
        %get3A_160 = vector.shape_cast %get3A_159 : vector<1x16xf32> to vector<16xf32>
        %mul3A_161 = arith.constant 8.000000e+00 : f32
        %mul3A_162 = vector.broadcast %mul3A_161 : f32 to vector<16xf32>
        %mul3A_163 = arith.mulf %get3A_160, %mul3A_162 : vector<16xf32>
        %add3A_164 = arith.constant 1 : i32
        %add3A_165 = arith.addi %mul3A_76, %add3A_164 : i32
        %swap3A_166 = arith.index_cast %add3A_165 : i32 to index
        %swap3A_167 = arith.constant 16 : index
        %swap3A_168 = tpu.vector_load %arg7[%swap3A_166, %swap3A_167] {strides = array<i32>} : memref<800x64xf32, #tpu.memory_space<vmem>>, vector<1x16xf32>,
        %swap3A_169 = vector.shape_cast %swap3A_168 : vector<1x16xf32> to vector<16xf32>
        %swap3A_170 = vector.shape_cast %mul3A_163 : vector<16xf32> to vector<1x16xf32>
        tpu.vector_store %arg7[%swap3A_166, %swap3A_167], %swap3A_170 {strides = array<i32>} : memref<800x64xf32, #tpu.memory_space<vmem>>, vector<1x16xf32>,
        %add3A_171 = arith.constant 1 : i32
        %add3A_172 = arith.addi %mul3A_76, %add3A_171 : i32
        %get3A_173 = arith.index_cast %add3A_172 : i32 to index
        %get3A_174 = arith.constant 32 : index
        %get3A_175 = tpu.vector_load %arg7[%get3A_173, %get3A_174] {strides = array<i32>} : memref<800x64xf32, #tpu.memory_space<vmem>>, vector<1x16xf32>,
        %get3A_176 = vector.shape_cast %get3A_175 : vector<1x16xf32> to vector<16xf32>
        %mul3A_177 = arith.constant 8.000000e+00 : f32
        %mul3A_178 = vector.broadcast %mul3A_177 : f32 to vector<16xf32>
        %mul3A_179 = arith.mulf %get3A_176, %mul3A_178 : vector<16xf32>
        %add3A_180 = arith.constant 1 : i32
        %add3A_181 = arith.addi %mul3A_76, %add3A_180 : i32
        %swap3A_182 = arith.index_cast %add3A_181 : i32 to index
        %swap3A_183 = arith.constant 32 : index
        %swap3A_184 = tpu.vector_load %arg7[%swap3A_182, %swap3A_183] {strides = array<i32>} : memref<800x64xf32, #tpu.memory_space<vmem>>, vector<1x16xf32>,
        %swap3A_185 = vector.shape_cast %swap3A_184 : vector<1x16xf32> to vector<16xf32>
        %swap3A_186 = vector.shape_cast %mul3A_179 : vector<16xf32> to vector<1x16xf32>
        tpu.vector_store %arg7[%swap3A_182, %swap3A_183], %swap3A_186 {strides = array<i32>} : memref<800x64xf32, #tpu.memory_space<vmem>>, vector<1x16xf32>,
        %add3A_187 = arith.constant 1 : i32
        %add3A_188 = arith.addi %mul3A_76, %add3A_187 : i32
        %get3A_189 = arith.index_cast %add3A_188 : i32 to index
        %get3A_190 = arith.constant 48 : index
        %get3A_191 = tpu.vector_load %arg7[%get3A_189, %get3A_190] {strides = array<i32>} : memref<800x64xf32, #tpu.memory_space<vmem>>, vector<1x16xf32>,
        %get3A_192 = vector.shape_cast %get3A_191 : vector<1x16xf32> to vector<16xf32>
        %mul3A_193 = arith.constant 8.000000e+00 : f32
        %mul3A_194 = vector.broadcast %mul3A_193 : f32 to vector<16xf32>
        %mul3A_195 = arith.mulf %get3A_192, %mul3A_194 : vector<16xf32>
        %add3A_196 = arith.constant 1 : i32
        %add3A_197 = arith.addi %mul3A_76, %add3A_196 : i32
        %swap3A_198 = arith.index_cast %add3A_197 : i32 to index
        %swap3A_199 = arith.constant 48 : index
        %swap3A_200 = tpu.vector_load %arg7[%swap3A_198, %swap3A_199] {strides = array<i32>} : memref<800x64xf32, #tpu.memory_space<vmem>>, vector<1x16xf32>,
        %swap3A_201 = vector.shape_cast %swap3A_200 : vector<1x16xf32> to vector<16xf32>
        %swap3A_202 = vector.shape_cast %mul3A_195 : vector<16xf32> to vector<1x16xf32>
        tpu.vector_store %arg7[%swap3A_198, %swap3A_199], %swap3A_202 {strides = array<i32>} : memref<800x64xf32, #tpu.memory_space<vmem>>, vector<1x16xf32>,
        %add3A_203 = arith.constant 2 : i32
        %add3A_204 = arith.addi %mul3A_76, %add3A_203 : i32
        %get3A_205 = arith.index_cast %add3A_204 : i32 to index
        %get3A_206 = arith.constant 0 : index
        %get3A_207 = tpu.vector_load %arg7[%get3A_205, %get3A_206] {strides = array<i32>} : memref<800x64xf32, #tpu.memory_space<vmem>>, vector<1x16xf32>,
        %get3A_208 = vector.shape_cast %get3A_207 : vector<1x16xf32> to vector<16xf32>
        %mul3A_209 = arith.constant 8.000000e+00 : f32
        %mul3A_210 = vector.broadcast %mul3A_209 : f32 to vector<16xf32>
        %mul3A_211 = arith.mulf %get3A_208, %mul3A_210 : vector<16xf32>
        %add3A_212 = arith.constant 2 : i32
        %add3A_213 = arith.addi %mul3A_76, %add3A_212 : i32
        %swap3A_214 = arith.index_cast %add3A_213 : i32 to index
        %swap3A_215 = arith.constant 0 : index
        %swap3A_216 = tpu.vector_load %arg7[%swap3A_214, %swap3A_215] {strides = array<i32>} : memref<800x64xf32, #tpu.memory_space<vmem>>, vector<1x16xf32>,
        %swap3A_217 = vector.shape_cast %swap3A_216 : vector<1x16xf32> to vector<16xf32>
        %swap3A_218 = vector.shape_cast %mul3A_211 : vector<16xf32> to vector<1x16xf32>
        tpu.vector_store %arg7[%swap3A_214, %swap3A_215], %swap3A_218 {strides = array<i32>} : memref<800x64xf32, #tpu.memory_space<vmem>>, vector<1x16xf32>,
        %add3A_219 = arith.constant 2 : i32
        %add3A_220 = arith.addi %mul3A_76, %add3A_219 : i32
        %get3A_221 = arith.index_cast %add3A_220 : i32 to index
        %get3A_222 = arith.constant 16 : index
        %get3A_223 = tpu.vector_load %arg7[%get3A_221, %get3A_222] {strides = array<i32>} : memref<800x64xf32, #tpu.memory_space<vmem>>, vector<1x16xf32>,
        %get3A_224 = vector.shape_cast %get3A_223 : vector<1x16xf32> to vector<16xf32>
        %mul3A_225 = arith.constant 8.000000e+00 : f32
        %mul3A_226 = vector.broadcast %mul3A_225 : f32 to vector<16xf32>
        %mul3A_227 = arith.mulf %get3A_224, %mul3A_226 : vector<16xf32>
        %add3A_228 = arith.constant 2 : i32
        %add3A_229 = arith.addi %mul3A_76, %add3A_228 : i32
        %swap3A_230 = arith.index_cast %add3A_229 : i32 to index
        %swap3A_231 = arith.constant 16 : index
        %swap3A_232 = tpu.vector_load %arg7[%swap3A_230, %swap3A_231] {strides = array<i32>} : memref<800x64xf32, #tpu.memory_space<vmem>>, vector<1x16xf32>,
        %swap3A_233 = vector.shape_cast %swap3A_232 : vector<1x16xf32> to vector<16xf32>
        %swap3A_234 = vector.shape_cast %mul3A_227 : vector<16xf32> to vector<1x16xf32>
        tpu.vector_store %arg7[%swap3A_230, %swap3A_231], %swap3A_234 {strides = array<i32>} : memref<800x64xf32, #tpu.memory_space<vmem>>, vector<1x16xf32>,
        %add3A_235 = arith.constant 2 : i32
        %add3A_236 = arith.addi %mul3A_76, %add3A_235 : i32
        %get3A_237 = arith.index_cast %add3A_236 : i32 to index
        %get3A_238 = arith.constant 32 : index
        %get3A_239 = tpu.vector_load %arg7[%get3A_237, %get3A_238] {strides = array<i32>} : memref<800x64xf32, #tpu.memory_space<vmem>>, vector<1x16xf32>,
        %get3A_240 = vector.shape_cast %get3A_239 : vector<1x16xf32> to vector<16xf32>
        %mul3A_241 = arith.constant 8.000000e+00 : f32
        %mul3A_242 = vector.broadcast %mul3A_241 : f32 to vector<16xf32>
        %mul3A_243 = arith.mulf %get3A_240, %mul3A_242 : vector<16xf32>
        %add3A_244 = arith.constant 2 : i32
        %add3A_245 = arith.addi %mul3A_76, %add3A_244 : i32
        %swap3A_246 = arith.index_cast %add3A_245 : i32 to index
        %swap3A_247 = arith.constant 32 : index
        %swap3A_248 = tpu.vector_load %arg7[%swap3A_246, %swap3A_247] {strides = array<i32>} : memref<800x64xf32, #tpu.memory_space<vmem>>, vector<1x16xf32>,
        %swap3A_249 = vector.shape_cast %swap3A_248 : vector<1x16xf32> to vector<16xf32>
        %swap3A_250 = vector.shape_cast %mul3A_243 : vector<16xf32> to vector<1x16xf32>
        tpu.vector_store %arg7[%swap3A_246, %swap3A_247], %swap3A_250 {strides = array<i32>} : memref<800x64xf32, #tpu.memory_space<vmem>>, vector<1x16xf32>,
        %add3A_251 = arith.constant 2 : i32
        %add3A_252 = arith.addi %mul3A_76, %add3A_251 : i32
        %get3A_253 = arith.index_cast %add3A_252 : i32 to index
        %get3A_254 = arith.constant 48 : index
        %get3A_255 = tpu.vector_load %arg7[%get3A_253, %get3A_254] {strides = array<i32>} : memref<800x64xf32, #tpu.memory_space<vmem>>, vector<1x16xf32>,
        %get3A_256 = vector.shape_cast %get3A_255 : vector<1x16xf32> to vector<16xf32>
        %mul3A_257 = arith.constant 8.000000e+00 : f32
        %mul3A_258 = vector.broadcast %mul3A_257 : f32 to vector<16xf32>
        %mul3A_259 = arith.mulf %get3A_256, %mul3A_258 : vector<16xf32>
        %add3A_260 = arith.constant 2 : i32
        %add3A_261 = arith.addi %mul3A_76, %add3A_260 : i32
        %swap3A_262 = arith.index_cast %add3A_261 : i32 to index
        %swap3A_263 = arith.constant 48 : index
        %swap3A_264 = tpu.vector_load %arg7[%swap3A_262, %swap3A_263] {strides = array<i32>} : memref<800x64xf32, #tpu.memory_space<vmem>>, vector<1x16xf32>,
        %swap3A_265 = vector.shape_cast %swap3A_264 : vector<1x16xf32> to vector<16xf32>
        %swap3A_266 = vector.shape_cast %mul3A_259 : vector<16xf32> to vector<1x16xf32>
        tpu.vector_store %arg7[%swap3A_262, %swap3A_263], %swap3A_266 {strides = array<i32>} : memref<800x64xf32, #tpu.memory_space<vmem>>, vector<1x16xf32>,
        %add3A_267 = arith.constant 3 : i32
        %add3A_268 = arith.addi %mul3A_76, %add3A_267 : i32
        %get3A_269 = arith.index_cast %add3A_268 : i32 to index
        %get3A_270 = arith.constant 0 : index
        %get3A_271 = tpu.vector_load %arg7[%get3A_269, %get3A_270] {strides = array<i32>} : memref<800x64xf32, #tpu.memory_space<vmem>>, vector<1x16xf32>,
        %get3A_272 = vector.shape_cast %get3A_271 : vector<1x16xf32> to vector<16xf32>
        %mul3A_273 = arith.constant 8.000000e+00 : f32
        %mul3A_274 = vector.broadcast %mul3A_273 : f32 to vector<16xf32>
        %mul3A_275 = arith.mulf %get3A_272, %mul3A_274 : vector<16xf32>
        %add3A_276 = arith.constant 3 : i32
        %add3A_277 = arith.addi %mul3A_76, %add3A_276 : i32
        %swap3A_278 = arith.index_cast %add3A_277 : i32 to index
        %swap3A_279 = arith.constant 0 : index
        %swap3A_280 = tpu.vector_load %arg7[%swap3A_278, %swap3A_279] {strides = array<i32>} : memref<800x64xf32, #tpu.memory_space<vmem>>, vector<1x16xf32>,
        %swap3A_281 = vector.shape_cast %swap3A_280 : vector<1x16xf32> to vector<16xf32>
        %swap3A_282 = vector.shape_cast %mul3A_275 : vector<16xf32> to vector<1x16xf32>
        tpu.vector_store %arg7[%swap3A_278, %swap3A_279], %swap3A_282 {strides = array<i32>} : memref<800x64xf32, #tpu.memory_space<vmem>>, vector<1x16xf32>,
        %add3A_283 = arith.constant 3 : i32
        %add3A_284 = arith.addi %mul3A_76, %add3A_283 : i32
        %get3A_285 = arith.index_cast %add3A_284 : i32 to index
        %get3A_286 = arith.constant 16 : index
        %get3A_287 = tpu.vector_load %arg7[%get3A_285, %get3A_286] {strides = array<i32>} : memref<800x64xf32, #tpu.memory_space<vmem>>, vector<1x16xf32>,
        %get3A_288 = vector.shape_cast %get3A_287 : vector<1x16xf32> to vector<16xf32>
        %mul3A_289 = arith.constant 8.000000e+00 : f32
        %mul3A_290 = vector.broadcast %mul3A_289 : f32 to vector<16xf32>
        %mul3A_291 = arith.mulf %get3A_288, %mul3A_290 : vector<16xf32>
        %add3A_292 = arith.constant 3 : i32
        %add3A_293 = arith.addi %mul3A_76, %add3A_292 : i32
        %swap3A_294 = arith.index_cast %add3A_293 : i32 to index
        %swap3A_295 = arith.constant 16 : index
        %swap3A_296 = tpu.vector_load %arg7[%swap3A_294, %swap3A_295] {strides = array<i32>} : memref<800x64xf32, #tpu.memory_space<vmem>>, vector<1x16xf32>,
        %swap3A_297 = vector.shape_cast %swap3A_296 : vector<1x16xf32> to vector<16xf32>
        %swap3A_298 = vector.shape_cast %mul3A_291 : vector<16xf32> to vector<1x16xf32>
        tpu.vector_store %arg7[%swap3A_294, %swap3A_295], %swap3A_298 {strides = array<i32>} : memref<800x64xf32, #tpu.memory_space<vmem>>, vector<1x16xf32>,
        %add3A_299 = arith.constant 3 : i32
        %add3A_300 = arith.addi %mul3A_76, %add3A_299 : i32
        %get3A_301 = arith.index_cast %add3A_300 : i32 to index
        %get3A_302 = arith.constant 32 : index
        %get3A_303 = tpu.vector_load %arg7[%get3A_301, %get3A_302] {strides = array<i32>} : memref<800x64xf32, #tpu.memory_space<vmem>>, vector<1x16xf32>,
        %get3A_304 = vector.shape_cast %get3A_303 : vector<1x16xf32> to vector<16xf32>
        %mul3A_305 = arith.constant 8.000000e+00 : f32
        %mul3A_306 = vector.broadcast %mul3A_305 : f32 to vector<16xf32>
        %mul3A_307 = arith.mulf %get3A_304, %mul3A_306 : vector<16xf32>
        %add3A_308 = arith.constant 3 : i32
        %add3A_309 = arith.addi %mul3A_76, %add3A_308 : i32
        %swap3A_310 = arith.index_cast %add3A_309 : i32 to index
        %swap3A_311 = arith.constant 32 : index
        %swap3A_312 = tpu.vector_load %arg7[%swap3A_310, %swap3A_311] {strides = array<i32>} : memref<800x64xf32, #tpu.memory_space<vmem>>, vector<1x16xf32>,
        %swap3A_313 = vector.shape_cast %swap3A_312 : vector<1x16xf32> to vector<16xf32>
        %swap3A_314 = vector.shape_cast %mul3A_307 : vector<16xf32> to vector<1x16xf32>
        tpu.vector_store %arg7[%swap3A_310, %swap3A_311], %swap3A_314 {strides = array<i32>} : memref<800x64xf32, #tpu.memory_space<vmem>>, vector<1x16xf32>,
        %add3A_315 = arith.constant 3 : i32
        %add3A_316 = arith.addi %mul3A_76, %add3A_315 : i32
        %get3A_317 = arith.index_cast %add3A_316 : i32 to index
        %get3A_318 = arith.constant 48 : index
        %get3A_319 = tpu.vector_load %arg7[%get3A_317, %get3A_318] {strides = array<i32>} : memref<800x64xf32, #tpu.memory_space<vmem>>, vector<1x16xf32>,
        %get3A_320 = vector.shape_cast %get3A_319 : vector<1x16xf32> to vector<16xf32>
        %mul3A_321 = arith.constant 8.000000e+00 : f32
        %mul3A_322 = vector.broadcast %mul3A_321 : f32 to vector<16xf32>
        %mul3A_323 = arith.mulf %get3A_320, %mul3A_322 : vector<16xf32>
        %add3A_324 = arith.constant 3 : i32
        %add3A_325 = arith.addi %mul3A_76, %add3A_324 : i32
        %swap3A_326 = arith.index_cast %add3A_325 : i32 to index
        %swap3A_327 = arith.constant 48 : index
        %swap3A_328 = tpu.vector_load %arg7[%swap3A_326, %swap3A_327] {strides = array<i32>} : memref<800x64xf32, #tpu.memory_space<vmem>>, vector<1x16xf32>,
        %swap3A_329 = vector.shape_cast %swap3A_328 : vector<1x16xf32> to vector<16xf32>
        %swap3A_330 = vector.shape_cast %mul3A_323 : vector<16xf32> to vector<1x16xf32>
        tpu.vector_store %arg7[%swap3A_326, %swap3A_327], %swap3A_330 {strides = array<i32>} : memref<800x64xf32, #tpu.memory_space<vmem>>, vector<1x16xf32>,
        %add3A_331 = arith.constant 4 : i32
        %add3A_332 = arith.addi %mul3A_76, %add3A_331 : i32
        %get3A_333 = arith.index_cast %add3A_332 : i32 to index
        %get3A_334 = arith.constant 0 : index
        %get3A_335 = tpu.vector_load %arg7[%get3A_333, %get3A_334] {strides = array<i32>} : memref<800x64xf32, #tpu.memory_space<vmem>>, vector<1x16xf32>,
        %get3A_336 = vector.shape_cast %get3A_335 : vector<1x16xf32> to vector<16xf32>
        %mul3A_337 = arith.constant 8.000000e+00 : f32
        %mul3A_338 = vector.broadcast %mul3A_337 : f32 to vector<16xf32>
        %mul3A_339 = arith.mulf %get3A_336, %mul3A_338 : vector<16xf32>
        %add3A_340 = arith.constant 4 : i32
        %add3A_341 = arith.addi %mul3A_76, %add3A_340 : i32
        %swap3A_342 = arith.index_cast %add3A_341 : i32 to index
        %swap3A_343 = arith.constant 0 : index
        %swap3A_344 = tpu.vector_load %arg7[%swap3A_342, %swap3A_343] {strides = array<i32>} : memref<800x64xf32, #tpu.memory_space<vmem>>, vector<1x16xf32>,
        %swap3A_345 = vector.shape_cast %swap3A_344 : vector<1x16xf32> to vector<16xf32>
        %swap3A_346 = vector.shape_cast %mul3A_339 : vector<16xf32> to vector<1x16xf32>
        tpu.vector_store %arg7[%swap3A_342, %swap3A_343], %swap3A_346 {strides = array<i32>} : memref<800x64xf32, #tpu.memory_space<vmem>>, vector<1x16xf32>,
        %add3A_347 = arith.constant 4 : i32
        %add3A_348 = arith.addi %mul3A_76, %add3A_347 : i32
        %get3A_349 = arith.index_cast %add3A_348 : i32 to index
        %get3A_350 = arith.constant 16 : index
        %get3A_351 = tpu.vector_load %arg7[%get3A_349, %get3A_350] {strides = array<i32>} : memref<800x64xf32, #tpu.memory_space<vmem>>, vector<1x16xf32>,
        %get3A_352 = vector.shape_cast %get3A_351 : vector<1x16xf32> to vector<16xf32>
        %mul3A_353 = arith.constant 8.000000e+00 : f32
        %mul3A_354 = vector.broadcast %mul3A_353 : f32 to vector<16xf32>
        %mul3A_355 = arith.mulf %get3A_352, %mul3A_354 : vector<16xf32>
        %add3A_356 = arith.constant 4 : i32
        %add3A_357 = arith.addi %mul3A_76, %add3A_356 : i32
        %swap3A_358 = arith.index_cast %add3A_357 : i32 to index
        %swap3A_359 = arith.constant 16 : index
        %swap3A_360 = tpu.vector_load %arg7[%swap3A_358, %swap3A_359] {strides = array<i32>} : memref<800x64xf32, #tpu.memory_space<vmem>>, vector<1x16xf32>,
        %swap3A_361 = vector.shape_cast %swap3A_360 : vector<1x16xf32> to vector<16xf32>
        %swap3A_362 = vector.shape_cast %mul3A_355 : vector<16xf32> to vector<1x16xf32>
        tpu.vector_store %arg7[%swap3A_358, %swap3A_359], %swap3A_362 {strides = array<i32>} : memref<800x64xf32, #tpu.memory_space<vmem>>, vector<1x16xf32>,
        %add3A_363 = arith.constant 4 : i32
        %add3A_364 = arith.addi %mul3A_76, %add3A_363 : i32
        %get3A_365 = arith.index_cast %add3A_364 : i32 to index
        %get3A_366 = arith.constant 32 : index
        %get3A_367 = tpu.vector_load %arg7[%get3A_365, %get3A_366] {strides = array<i32>} : memref<800x64xf32, #tpu.memory_space<vmem>>, vector<1x16xf32>,
        %get3A_368 = vector.shape_cast %get3A_367 : vector<1x16xf32> to vector<16xf32>
        %mul3A_369 = arith.constant 8.000000e+00 : f32
        %mul3A_370 = vector.broadcast %mul3A_369 : f32 to vector<16xf32>
        %mul3A_371 = arith.mulf %get3A_368, %mul3A_370 : vector<16xf32>
        %add3A_372 = arith.constant 4 : i32
        %add3A_373 = arith.addi %mul3A_76, %add3A_372 : i32
        %swap3A_374 = arith.index_cast %add3A_373 : i32 to index
        %swap3A_375 = arith.constant 32 : index
        %swap3A_376 = tpu.vector_load %arg7[%swap3A_374, %swap3A_375] {strides = array<i32>} : memref<800x64xf32, #tpu.memory_space<vmem>>, vector<1x16xf32>,
        %swap3A_377 = vector.shape_cast %swap3A_376 : vector<1x16xf32> to vector<16xf32>
        %swap3A_378 = vector.shape_cast %mul3A_371 : vector<16xf32> to vector<1x16xf32>
        tpu.vector_store %arg7[%swap3A_374, %swap3A_375], %swap3A_378 {strides = array<i32>} : memref<800x64xf32, #tpu.memory_space<vmem>>, vector<1x16xf32>,
        %add3A_379 = arith.constant 4 : i32
        %add3A_380 = arith.addi %mul3A_76, %add3A_379 : i32
        %get3A_381 = arith.index_cast %add3A_380 : i32 to index
        %get3A_382 = arith.constant 48 : index
        %get3A_383 = tpu.vector_load %arg7[%get3A_381, %get3A_382] {strides = array<i32>} : memref<800x64xf32, #tpu.memory_space<vmem>>, vector<1x16xf32>,
        %get3A_384 = vector.shape_cast %get3A_383 : vector<1x16xf32> to vector<16xf32>
        %mul3A_385 = arith.constant 8.000000e+00 : f32
        %mul3A_386 = vector.broadcast %mul3A_385 : f32 to vector<16xf32>
        %mul3A_387 = arith.mulf %get3A_384, %mul3A_386 : vector<16xf32>
        %add3A_388 = arith.constant 4 : i32
        %add3A_389 = arith.addi %mul3A_76, %add3A_388 : i32
        %swap3A_390 = arith.index_cast %add3A_389 : i32 to index
        %swap3A_391 = arith.constant 48 : index
        %swap3A_392 = tpu.vector_load %arg7[%swap3A_390, %swap3A_391] {strides = array<i32>} : memref<800x64xf32, #tpu.memory_space<vmem>>, vector<1x16xf32>,
        %swap3A_393 = vector.shape_cast %swap3A_392 : vector<1x16xf32> to vector<16xf32>
        %swap3A_394 = vector.shape_cast %mul3A_387 : vector<16xf32> to vector<1x16xf32>
        tpu.vector_store %arg7[%swap3A_390, %swap3A_391], %swap3A_394 {strides = array<i32>} : memref<800x64xf32, #tpu.memory_space<vmem>>, vector<1x16xf32>,
        %add3A_395 = arith.constant 5 : i32
        %add3A_396 = arith.addi %mul3A_76, %add3A_395 : i32
        %get3A_397 = arith.index_cast %add3A_396 : i32 to index
        %get3A_398 = arith.constant 0 : index
        %get3A_399 = tpu.vector_load %arg7[%get3A_397, %get3A_398] {strides = array<i32>} : memref<800x64xf32, #tpu.memory_space<vmem>>, vector<1x16xf32>,
        %get3A_400 = vector.shape_cast %get3A_399 : vector<1x16xf32> to vector<16xf32>
        %mul3A_401 = arith.constant 8.000000e+00 : f32
        %mul3A_402 = vector.broadcast %mul3A_401 : f32 to vector<16xf32>
        %mul3A_403 = arith.mulf %get3A_400, %mul3A_402 : vector<16xf32>
        %add3A_404 = arith.constant 5 : i32
        %add3A_405 = arith.addi %mul3A_76, %add3A_404 : i32
        %swap3A_406 = arith.index_cast %add3A_405 : i32 to index
        %swap3A_407 = arith.constant 0 : index
        %swap3A_408 = tpu.vector_load %arg7[%swap3A_406, %swap3A_407] {strides = array<i32>} : memref<800x64xf32, #tpu.memory_space<vmem>>, vector<1x16xf32>,
        %swap3A_409 = vector.shape_cast %swap3A_408 : vector<1x16xf32> to vector<16xf32>
        %swap3A_410 = vector.shape_cast %mul3A_403 : vector<16xf32> to vector<1x16xf32>
        tpu.vector_store %arg7[%swap3A_406, %swap3A_407], %swap3A_410 {strides = array<i32>} : memref<800x64xf32, #tpu.memory_space<vmem>>, vector<1x16xf32>,
        %add3A_411 = arith.constant 5 : i32
        %add3A_412 = arith.addi %mul3A_76, %add3A_411 : i32
        %get3A_413 = arith.index_cast %add3A_412 : i32 to index
        %get3A_414 = arith.constant 16 : index
        %get3A_415 = tpu.vector_load %arg7[%get3A_413, %get3A_414] {strides = array<i32>} : memref<800x64xf32, #tpu.memory_space<vmem>>, vector<1x16xf32>,
        %get3A_416 = vector.shape_cast %get3A_415 : vector<1x16xf32> to vector<16xf32>
        %mul3A_417 = arith.constant 8.000000e+00 : f32
        %mul3A_418 = vector.broadcast %mul3A_417 : f32 to vector<16xf32>
        %mul3A_419 = arith.mulf %get3A_416, %mul3A_418 : vector<16xf32>
        %add3A_420 = arith.constant 5 : i32
        %add3A_421 = arith.addi %mul3A_76, %add3A_420 : i32
        %swap3A_422 = arith.index_cast %add3A_421 : i32 to index
        %swap3A_423 = arith.constant 16 : index
        %swap3A_424 = tpu.vector_load %arg7[%swap3A_422, %swap3A_423] {strides = array<i32>} : memref<800x64xf32, #tpu.memory_space<vmem>>, vector<1x16xf32>,
        %swap3A_425 = vector.shape_cast %swap3A_424 : vector<1x16xf32> to vector<16xf32>
        %swap3A_426 = vector.shape_cast %mul3A_419 : vector<16xf32> to vector<1x16xf32>
        tpu.vector_store %arg7[%swap3A_422, %swap3A_423], %swap3A_426 {strides = array<i32>} : memref<800x64xf32, #tpu.memory_space<vmem>>, vector<1x16xf32>,
        %add3A_427 = arith.constant 5 : i32
        %add3A_428 = arith.addi %mul3A_76, %add3A_427 : i32
        %get3A_429 = arith.index_cast %add3A_428 : i32 to index
        %get3A_430 = arith.constant 32 : index
        %get3A_431 = tpu.vector_load %arg7[%get3A_429, %get3A_430] {strides = array<i32>} : memref<800x64xf32, #tpu.memory_space<vmem>>, vector<1x16xf32>,
        %get3A_432 = vector.shape_cast %get3A_431 : vector<1x16xf32> to vector<16xf32>
        %mul3A_433 = arith.constant 8.000000e+00 : f32
        %mul3A_434 = vector.broadcast %mul3A_433 : f32 to vector<16xf32>
        %mul3A_435 = arith.mulf %get3A_432, %mul3A_434 : vector<16xf32>
        %add3A_436 = arith.constant 5 : i32
        %add3A_437 = arith.addi %mul3A_76, %add3A_436 : i32
        %swap3A_438 = arith.index_cast %add3A_437 : i32 to index
        %swap3A_439 = arith.constant 32 : index
        %swap3A_440 = tpu.vector_load %arg7[%swap3A_438, %swap3A_439] {strides = array<i32>} : memref<800x64xf32, #tpu.memory_space<vmem>>, vector<1x16xf32>,
        %swap3A_441 = vector.shape_cast %swap3A_440 : vector<1x16xf32> to vector<16xf32>
        %swap3A_442 = vector.shape_cast %mul3A_435 : vector<16xf32> to vector<1x16xf32>
        tpu.vector_store %arg7[%swap3A_438, %swap3A_439], %swap3A_442 {strides = array<i32>} : memref<800x64xf32, #tpu.memory_space<vmem>>, vector<1x16xf32>,
        %add3A_443 = arith.constant 5 : i32
        %add3A_444 = arith.addi %mul3A_76, %add3A_443 : i32
        %get3A_445 = arith.index_cast %add3A_444 : i32 to index
        %get3A_446 = arith.constant 48 : index
        %get3A_447 = tpu.vector_load %arg7[%get3A_445, %get3A_446] {strides = array<i32>} : memref<800x64xf32, #tpu.memory_space<vmem>>, vector<1x16xf32>,
        %get3A_448 = vector.shape_cast %get3A_447 : vector<1x16xf32> to vector<16xf32>
        %mul3A_449 = arith.constant 8.000000e+00 : f32
        %mul3A_450 = vector.broadcast %mul3A_449 : f32 to vector<16xf32>
        %mul3A_451 = arith.mulf %get3A_448, %mul3A_450 : vector<16xf32>
        %add3A_452 = arith.constant 5 : i32
        %add3A_453 = arith.addi %mul3A_76, %add3A_452 : i32
        %swap3A_454 = arith.index_cast %add3A_453 : i32 to index
        %swap3A_455 = arith.constant 48 : index
        %swap3A_456 = tpu.vector_load %arg7[%swap3A_454, %swap3A_455] {strides = array<i32>} : memref<800x64xf32, #tpu.memory_space<vmem>>, vector<1x16xf32>,
        %swap3A_457 = vector.shape_cast %swap3A_456 : vector<1x16xf32> to vector<16xf32>
        %swap3A_458 = vector.shape_cast %mul3A_451 : vector<16xf32> to vector<1x16xf32>
        tpu.vector_store %arg7[%swap3A_454, %swap3A_455], %swap3A_458 {strides = array<i32>} : memref<800x64xf32, #tpu.memory_space<vmem>>, vector<1x16xf32>,
        %add3A_459 = arith.constant 6 : i32
        %add3A_460 = arith.addi %mul3A_76, %add3A_459 : i32
        %get3A_461 = arith.index_cast %add3A_460 : i32 to index
        %get3A_462 = arith.constant 0 : index
        %get3A_463 = tpu.vector_load %arg7[%get3A_461, %get3A_462] {strides = array<i32>} : memref<800x64xf32, #tpu.memory_space<vmem>>, vector<1x16xf32>,
        %get3A_464 = vector.shape_cast %get3A_463 : vector<1x16xf32> to vector<16xf32>
        %mul3A_465 = arith.constant 8.000000e+00 : f32
        %mul3A_466 = vector.broadcast %mul3A_465 : f32 to vector<16xf32>
        %mul3A_467 = arith.mulf %get3A_464, %mul3A_466 : vector<16xf32>
        %add3A_468 = arith.constant 6 : i32
        %add3A_469 = arith.addi %mul3A_76, %add3A_468 : i32
        %swap3A_470 = arith.index_cast %add3A_469 : i32 to index
        %swap3A_471 = arith.constant 0 : index
        %swap3A_472 = tpu.vector_load %arg7[%swap3A_470, %swap3A_471] {strides = array<i32>} : memref<800x64xf32, #tpu.memory_space<vmem>>, vector<1x16xf32>,
        %swap3A_473 = vector.shape_cast %swap3A_472 : vector<1x16xf32> to vector<16xf32>
        %swap3A_474 = vector.shape_cast %mul3A_467 : vector<16xf32> to vector<1x16xf32>
        tpu.vector_store %arg7[%swap3A_470, %swap3A_471], %swap3A_474 {strides = array<i32>} : memref<800x64xf32, #tpu.memory_space<vmem>>, vector<1x16xf32>,
        %add3A_475 = arith.constant 6 : i32
        %add3A_476 = arith.addi %mul3A_76, %add3A_475 : i32
        %get3A_477 = arith.index_cast %add3A_476 : i32 to index
        %get3A_478 = arith.constant 16 : index
        %get3A_479 = tpu.vector_load %arg7[%get3A_477, %get3A_478] {strides = array<i32>} : memref<800x64xf32, #tpu.memory_space<vmem>>, vector<1x16xf32>,
        %get3A_480 = vector.shape_cast %get3A_479 : vector<1x16xf32> to vector<16xf32>
        %mul3A_481 = arith.constant 8.000000e+00 : f32
        %mul3A_482 = vector.broadcast %mul3A_481 : f32 to vector<16xf32>
        %mul3A_483 = arith.mulf %get3A_480, %mul3A_482 : vector<16xf32>
        %add3A_484 = arith.constant 6 : i32
        %add3A_485 = arith.addi %mul3A_76, %add3A_484 : i32
        %swap3A_486 = arith.index_cast %add3A_485 : i32 to index
        %swap3A_487 = arith.constant 16 : index
        %swap3A_488 = tpu.vector_load %arg7[%swap3A_486, %swap3A_487] {strides = array<i32>} : memref<800x64xf32, #tpu.memory_space<vmem>>, vector<1x16xf32>,
        %swap3A_489 = vector.shape_cast %swap3A_488 : vector<1x16xf32> to vector<16xf32>
        %swap3A_490 = vector.shape_cast %mul3A_483 : vector<16xf32> to vector<1x16xf32>
        tpu.vector_store %arg7[%swap3A_486, %swap3A_487], %swap3A_490 {strides = array<i32>} : memref<800x64xf32, #tpu.memory_space<vmem>>, vector<1x16xf32>,
        %add3A_491 = arith.constant 6 : i32
        %add3A_492 = arith.addi %mul3A_76, %add3A_491 : i32
        %get3A_493 = arith.index_cast %add3A_492 : i32 to index
        %get3A_494 = arith.constant 32 : index
        %get3A_495 = tpu.vector_load %arg7[%get3A_493, %get3A_494] {strides = array<i32>} : memref<800x64xf32, #tpu.memory_space<vmem>>, vector<1x16xf32>,
        %get3A_496 = vector.shape_cast %get3A_495 : vector<1x16xf32> to vector<16xf32>
        %mul3A_497 = arith.constant 8.000000e+00 : f32
        %mul3A_498 = vector.broadcast %mul3A_497 : f32 to vector<16xf32>
        %mul3A_499 = arith.mulf %get3A_496, %mul3A_498 : vector<16xf32>
        %add3A_500 = arith.constant 6 : i32
        %add3A_501 = arith.addi %mul3A_76, %add3A_500 : i32
        %swap3A_502 = arith.index_cast %add3A_501 : i32 to index
        %swap3A_503 = arith.constant 32 : index
        %swap3A_504 = tpu.vector_load %arg7[%swap3A_502, %swap3A_503] {strides = array<i32>} : memref<800x64xf32, #tpu.memory_space<vmem>>, vector<1x16xf32>,
        %swap3A_505 = vector.shape_cast %swap3A_504 : vector<1x16xf32> to vector<16xf32>
        %swap3A_506 = vector.shape_cast %mul3A_499 : vector<16xf32> to vector<1x16xf32>
        tpu.vector_store %arg7[%swap3A_502, %swap3A_503], %swap3A_506 {strides = array<i32>} : memref<800x64xf32, #tpu.memory_space<vmem>>, vector<1x16xf32>,
        %add3A_507 = arith.constant 6 : i32
        %add3A_508 = arith.addi %mul3A_76, %add3A_507 : i32
        %get3A_509 = arith.index_cast %add3A_508 : i32 to index
        %get3A_510 = arith.constant 48 : index
        %get3A_511 = tpu.vector_load %arg7[%get3A_509, %get3A_510] {strides = array<i32>} : memref<800x64xf32, #tpu.memory_space<vmem>>, vector<1x16xf32>,
        %get3A_512 = vector.shape_cast %get3A_511 : vector<1x16xf32> to vector<16xf32>
        %mul3A_513 = arith.constant 8.000000e+00 : f32
        %mul3A_514 = vector.broadcast %mul3A_513 : f32 to vector<16xf32>
        %mul3A_515 = arith.mulf %get3A_512, %mul3A_514 : vector<16xf32>
        %add3A_516 = arith.constant 6 : i32
        %add3A_517 = arith.addi %mul3A_76, %add3A_516 : i32
        %swap3A_518 = arith.index_cast %add3A_517 : i32 to index
        %swap3A_519 = arith.constant 48 : index
        %swap3A_520 = tpu.vector_load %arg7[%swap3A_518, %swap3A_519] {strides = array<i32>} : memref<800x64xf32, #tpu.memory_space<vmem>>, vector<1x16xf32>,
        %swap3A_521 = vector.shape_cast %swap3A_520 : vector<1x16xf32> to vector<16xf32>
        %swap3A_522 = vector.shape_cast %mul3A_515 : vector<16xf32> to vector<1x16xf32>
        tpu.vector_store %arg7[%swap3A_518, %swap3A_519], %swap3A_522 {strides = array<i32>} : memref<800x64xf32, #tpu.memory_space<vmem>>, vector<1x16xf32>,
        %add3A_523 = arith.constant 7 : i32
        %add3A_524 = arith.addi %mul3A_76, %add3A_523 : i32
        %get3A_525 = arith.index_cast %add3A_524 : i32 to index
        %get3A_526 = arith.constant 0 : index
        %get3A_527 = tpu.vector_load %arg7[%get3A_525, %get3A_526] {strides = array<i32>} : memref<800x64xf32, #tpu.memory_space<vmem>>, vector<1x16xf32>,
        %get3A_528 = vector.shape_cast %get3A_527 : vector<1x16xf32> to vector<16xf32>
        %mul3A_529 = arith.constant 8.000000e+00 : f32
        %mul3A_530 = vector.broadcast %mul3A_529 : f32 to vector<16xf32>
        %mul3A_531 = arith.mulf %get3A_528, %mul3A_530 : vector<16xf32>
        %add3A_532 = arith.constant 7 : i32
        %add3A_533 = arith.addi %mul3A_76, %add3A_532 : i32
        %swap3A_534 = arith.index_cast %add3A_533 : i32 to index
        %swap3A_535 = arith.constant 0 : index
        %swap3A_536 = tpu.vector_load %arg7[%swap3A_534, %swap3A_535] {strides = array<i32>} : memref<800x64xf32, #tpu.memory_space<vmem>>, vector<1x16xf32>,
        %swap3A_537 = vector.shape_cast %swap3A_536 : vector<1x16xf32> to vector<16xf32>
        %swap3A_538 = vector.shape_cast %mul3A_531 : vector<16xf32> to vector<1x16xf32>
        tpu.vector_store %arg7[%swap3A_534, %swap3A_535], %swap3A_538 {strides = array<i32>} : memref<800x64xf32, #tpu.memory_space<vmem>>, vector<1x16xf32>,
        %add3A_539 = arith.constant 7 : i32
        %add3A_540 = arith.addi %mul3A_76, %add3A_539 : i32
        %get3A_541 = arith.index_cast %add3A_540 : i32 to index
        %get3A_542 = arith.constant 16 : index
        %get3A_543 = tpu.vector_load %arg7[%get3A_541, %get3A_542] {strides = array<i32>} : memref<800x64xf32, #tpu.memory_space<vmem>>, vector<1x16xf32>,
        %get3A_544 = vector.shape_cast %get3A_543 : vector<1x16xf32> to vector<16xf32>
        %mul3A_545 = arith.constant 8.000000e+00 : f32
        %mul3A_546 = vector.broadcast %mul3A_545 : f32 to vector<16xf32>
        %mul3A_547 = arith.mulf %get3A_544, %mul3A_546 : vector<16xf32>
        %add3A_548 = arith.constant 7 : i32
        %add3A_549 = arith.addi %mul3A_76, %add3A_548 : i32
        %swap3A_550 = arith.index_cast %add3A_549 : i32 to index
        %swap3A_551 = arith.constant 16 : index
        %swap3A_552 = tpu.vector_load %arg7[%swap3A_550, %swap3A_551] {strides = array<i32>} : memref<800x64xf32, #tpu.memory_space<vmem>>, vector<1x16xf32>,
        %swap3A_553 = vector.shape_cast %swap3A_552 : vector<1x16xf32> to vector<16xf32>
        %swap3A_554 = vector.shape_cast %mul3A_547 : vector<16xf32> to vector<1x16xf32>
        tpu.vector_store %arg7[%swap3A_550, %swap3A_551], %swap3A_554 {strides = array<i32>} : memref<800x64xf32, #tpu.memory_space<vmem>>, vector<1x16xf32>,
        %add3A_555 = arith.constant 7 : i32
        %add3A_556 = arith.addi %mul3A_76, %add3A_555 : i32
        %get3A_557 = arith.index_cast %add3A_556 : i32 to index
        %get3A_558 = arith.constant 32 : index
        %get3A_559 = tpu.vector_load %arg7[%get3A_557, %get3A_558] {strides = array<i32>} : memref<800x64xf32, #tpu.memory_space<vmem>>, vector<1x16xf32>,
        %get3A_560 = vector.shape_cast %get3A_559 : vector<1x16xf32> to vector<16xf32>
        %mul3A_561 = arith.constant 8.000000e+00 : f32
        %mul3A_562 = vector.broadcast %mul3A_561 : f32 to vector<16xf32>
        %mul3A_563 = arith.mulf %get3A_560, %mul3A_562 : vector<16xf32>
        %add3A_564 = arith.constant 7 : i32
        %add3A_565 = arith.addi %mul3A_76, %add3A_564 : i32
        %swap3A_566 = arith.index_cast %add3A_565 : i32 to index
        %swap3A_567 = arith.constant 32 : index
        %swap3A_568 = tpu.vector_load %arg7[%swap3A_566, %swap3A_567] {strides = array<i32>} : memref<800x64xf32, #tpu.memory_space<vmem>>, vector<1x16xf32>,
        %swap3A_569 = vector.shape_cast %swap3A_568 : vector<1x16xf32> to vector<16xf32>
        %swap3A_570 = vector.shape_cast %mul3A_563 : vector<16xf32> to vector<1x16xf32>
        tpu.vector_store %arg7[%swap3A_566, %swap3A_567], %swap3A_570 {strides = array<i32>} : memref<800x64xf32, #tpu.memory_space<vmem>>, vector<1x16xf32>,
        %add3A_571 = arith.constant 7 : i32
        %add3A_572 = arith.addi %mul3A_76, %add3A_571 : i32
        %get3A_573 = arith.index_cast %add3A_572 : i32 to index
        %get3A_574 = arith.constant 48 : index
        %get3A_575 = tpu.vector_load %arg7[%get3A_573, %get3A_574] {strides = array<i32>} : memref<800x64xf32, #tpu.memory_space<vmem>>, vector<1x16xf32>,
        %get3A_576 = vector.shape_cast %get3A_575 : vector<1x16xf32> to vector<16xf32>
        %mul3A_577 = arith.constant 8.000000e+00 : f32
        %mul3A_578 = vector.broadcast %mul3A_577 : f32 to vector<16xf32>
        %mul3A_579 = arith.mulf %get3A_576, %mul3A_578 : vector<16xf32>
        %add3A_580 = arith.constant 7 : i32
        %add3A_581 = arith.addi %mul3A_76, %add3A_580 : i32
        %swap3A_582 = arith.index_cast %add3A_581 : i32 to index
        %swap3A_583 = arith.constant 48 : index
        %swap3A_584 = tpu.vector_load %arg7[%swap3A_582, %swap3A_583] {strides = array<i32>} : memref<800x64xf32, #tpu.memory_space<vmem>>, vector<1x16xf32>,
        %swap3A_585 = vector.shape_cast %swap3A_584 : vector<1x16xf32> to vector<16xf32>
        %swap3A_586 = vector.shape_cast %mul3A_579 : vector<16xf32> to vector<1x16xf32>
        tpu.vector_store %arg7[%swap3A_582, %swap3A_583], %swap3A_586 {strides = array<i32>} : memref<800x64xf32, #tpu.memory_space<vmem>>, vector<1x16xf32>,
      }
      %scan3A_64 = arith.constant 100 : i32
      %add3A_65 = arith.constant 1 : i32
      %add3A_66 = arith.addi %mul3A_21, %add3A_65 : i32
      %mul3A_67 = arith.constant 800 : i32
      %mul3A_68 = arith.muli %add3A_66, %mul3A_67 : i32
      %add3A_69 = arith.addi %mul3A_2, %mul3A_68 : i32
      %dma_start3A_70 = arith.constant 0 : i32
      %dma_start3A_71 = tpu.memref_slice %arg4[%add3A_69, %dma_start3A_70] : memref<819200x64xf32, #tpu.memory_space<hbm>> -> memref<800x64xf32, #tpu.memory_space<hbm>>
      %dma_start3A_72 = arith.constant 0 : i32
      %dma_start3A_73 = tpu.memref_slice %arg4[%add3A_69, %dma_start3A_72] : memref<819200x64xf32, #tpu.memory_space<hbm>> -> memref<800x64xf32, #tpu.memory_space<hbm>>
      tpu.enqueue_dma source(%arg7 : memref<800x64xf32, #tpu.memory_space<vmem>>) target(%dma_start3A_73 : memref<800x64xf32, #tpu.memory_space<hbm>>) target_semaphore(%arg11 : memref<!tpu.dma_semaphore, #tpu.memory_space<semaphore_mem>>)
    }
    %scan3A_11 = arith.constant 16 : i32
    %dma_wait3A = arith.constant 0 : i32
    %dma_wait3A_12 = tpu.memref_slice %arg4[%mul3A_2, %dma_wait3A] : memref<819200x64xf32, #tpu.memory_space<hbm>> -> memref<800x64xf32, #tpu.memory_space<hbm>>
    %dma_wait3A_13 = arith.constant 0 : i32
    %dma_wait3A_14 = tpu.memref_slice %arg4[%mul3A_2, %dma_wait3A_13] : memref<819200x64xf32, #tpu.memory_space<hbm>> -> memref<800x64xf32, #tpu.memory_space<hbm>>
    tpu.wait_dma2 semaphore(%arg10 : memref<!tpu.dma_semaphore, #tpu.memory_space<semaphore_mem>>) src(%arg6 : memref<800x64xf32, #tpu.memory_space<vmem>>) dst(%dma_wait3A_14 : memref<800x64xf32, #tpu.memory_space<hbm>>)
    %dma_wait3A_15 = arith.constant 0 : i32
    %dma_wait3A_16 = tpu.memref_slice %arg4[%mul3A_2, %dma_wait3A_15] : memref<819200x64xf32, #tpu.memory_space<hbm>> -> memref<800x64xf32, #tpu.memory_space<hbm>>
    %dma_wait3A_17 = arith.constant 0 : i32
    %dma_wait3A_18 = tpu.memref_slice %arg4[%mul3A_2, %dma_wait3A_17] : memref<819200x64xf32, #tpu.memory_space<hbm>> -> memref<800x64xf32, #tpu.memory_space<hbm>>
    tpu.wait_dma2 semaphore(%arg11 : memref<!tpu.dma_semaphore, #tpu.memory_space<semaphore_mem>>) src(%arg7 : memref<800x64xf32, #tpu.memory_space<vmem>>) dst(%dma_wait3A_18 : memref<800x64xf32, #tpu.memory_space<hbm>>)
    return
  }
}

</mosaic_0001>

<sc_bundles>
// kernel: kernel.3.cloned.1.call-start
scs
__scs_entry_jumppad:
0x0: {  	(pc) =	sbr.rel $0x88, $3  }
0x1: {  	(tag) =	ssettag $0x0;
	lr =	simm.s32 $0x1  }
0x2: {  	[smem:$0x3F9F] =	sst lr;
	_ =	strace $0xD0000000  }
0x3: {  	_ = 	snop  }
0x4: {  	_ = 	snop  }
0x5: {  	_ = 	snop  }
0x6: {  	_ = 	snop  }
0x7: {  	_ = 	snop  }
__scs_overlays_trampoline_lowered:
0x8: {  	[smem:$0x3FAE] =	sst s0  }
0x9: {  	[smem:$0x3FAF] =	sst s1  }
0xa: {  	[smem:$0x3FB0] =	sst s2  }
0xb: {  	[smem:$0x3FB1] =	sst s3  }
0xc: {  	[smem:$0x3FB2] =	sst s4  }
0xd: {  	[smem:$0x3FB3] =	sst s5  }
0xe: {  	[smem:$0x3FB4] =	sst s6  }
0xf: {  	[smem:$0x3FB5] =	sst s7  }
0x10: {  	[smem:$0x3FB6] =	sst s8  }
0x11: {  	[smem:$0x3FB7] =	sst s9;
	s0 =	simm.s32 @!p0 $0x0  }
0x12: {  	s1 =	sld [smem:$0x3F9D];
	s0 =	simm.s32 @p0 $0x1  }
0x13: {  	[smem:$0x3FB8] =	sst s0;
	s0 =	simm.s32 @!p1 $0x0  }
0x14: {  	s2 =	sld [smem:$0x3F9C];
	s0 =	simm.s32 @p1 $0x1  }
0x15: {  	[smem:$0x3FB9] =	sst s0;
	s0 =	simm.s32 @!p2 $0x0  }
0x16: {  	s3 =	sld [smem:$0x3FDB];
	s0 =	simm.s32 @p2 $0x1  }
0x17: {  	s4 =	simm.s32 $0x1BF5;
	[smem:$0x3FBB] =	sst s0  }
0x18: {  	s0 =	sld [smem:$0x3F9E];
	_ =	swait.ge [sflag:s4], $0x0  }
0x19: {  	s7 =	sld [smem:$0x3F9F]  }
0x1a: {  	s8 =	sadd.s32 $0xFFFFE003, lr  }
0x1b: {  	s9 =	sadd.s32 $0xFFFFFEF7, lr;
	s5 =	simm.s32 $0xFFFFFFFF;
	p2 =	slt.u32 s8, $0xFFFFF086  }
0x1c: {  	p1 =	slt.u32 s9, $0xF7A;
	s5 =	simm.s32 @!p2 $0x0  }
0x1d: {  	s5 =	simm.s32 @p1 $0x1;
	p0 =	seq.s32 s7, s2  }
0x1e: {  	s7 =	smul.u32 @!p0 $0xF7A, s2;
	p2 =	seq.s32 @!p0 s5, $0x0  }
0x1f: {  	s9 =	smul.u32 $0xF7A, s1;
	s8 =	simm.s32 @!p0 $0x1BF5;
	p2 =	por !p2, p0  }
0x20: {  	[sflag:s8] =	ssyncset.s32 @!p0 $0xFFFFF086;
	s6 =	sadd.s32 @!p0 s3, s7;
	s7 =	simm.s32 @!p0 $0x108  }
0x21: {  	s3 =	sadd.s32 s3, s9;
	s6 =	sadd.s32 @!p0 $0x88, s6;
	s7 =	simm.s32 @p2 $0x1082  }
0x22: {  	[simem:s7], [sflag:s8] =	dma.local @!p0 [hbm:s6], $0xF7A  }
0x23: {  	s9 =	sor.u32 $0xD0000000, s2;
	s6 =	simm.s32 $0x108;
	_ =	swait.ge @!p0 [sflag:s8], $0x0  }
0x24: {  	s3 =	sadd.s32 $0x88, s3;
	s6 =	simm.s32 @!p1 $0x1082;
	[sflag:s4] =	ssyncset.s32 $0xFFFFF086  }
0x25: {  	[simem:s6], [sflag:s4] =	dma.local [hbm:s3], $0xF7A  }
0x26: {  	[smem:$0x3F9F] =	sst s1;
	(tag) =	ssettag s2;
	_ =	strace s9  }
0x27: {  	s1 =	sld [smem:$0x3FAF]  }
0x28: {  	s2 =	sld [smem:$0x3FB0]  }
0x29: {  	s4 =	sld [smem:$0x3FB2]  }
0x2a: {  	p0 =	seq.s32 s5, $0x0;
	s5 =	sld [smem:$0x3FB3]  }
0x2b: {  	s6 =	sld [smem:$0x3FB4]  }
0x2c: {  	s7 =	sld [smem:$0x3FB5]  }
0x2d: {  	s3 =	simm.s32 $0x108;
	s8 =	sld [smem:$0x3FB6]  }
0x2e: {  	s3 =	simm.s32 @!p0 $0x1082;
	s9 =	sld [smem:$0x3FB7]  }
0x2f: {  	lr =	sadd.s32 s0, s3;
	s0 =	sld [smem:$0x3FAE]  }
0x30: {  	s3 =	sld [smem:$0x3FB1]  }
0x31: {  	[smem:$0x3FBA] =	sst s10  }
0x32: {  	s10 =	sld [smem:$0x3FB8];
	_ =	sdelay $0x3  }
0x33: {  	p0 =	seq.s32 s10, $0x1;
	s10 =	sld [smem:$0x3FBA];
	_ =	sdelay $0x3  }
0x34: {  	[smem:$0x3FBA] =	sst s10  }
0x35: {  	s10 =	sld [smem:$0x3FB9];
	_ =	sdelay $0x3  }
0x36: {  	p1 =	seq.s32 s10, $0x1;
	s10 =	sld [smem:$0x3FBA];
	_ =	sdelay $0x3  }
0x37: {  	[smem:$0x3FBA] =	sst s10  }
0x38: {  	s10 =	sld [smem:$0x3FBB]  }
0x39: {  	_ = 	snop;
	(pc) =	sbr.ind lr, $3  }
0x3a: {  	_ = 	snop  }
0x3b: {  	_ = 	snop  }
0x3c: {  	p2 =	seq.s32 s10, $0x1;
	s10 =	sld [smem:$0x3FBA]  }
0x3d: {  	_ =	shalt  }
0x3e: {  	_ =	shalt  }
0x3f: {  	_ =	shalt  }
0x40: {  	_ =	shalt  }
0x41: {  	_ =	shalt  }
0x42: {  	_ =	shalt  }
0x43: {  	_ =	shalt  }
0x44: {  	_ =	shalt  }
0x45: {  	_ =	shalt  }
0x46: {  	_ =	shalt  }
0x47: {  	_ =	shalt  }
0x48: {  	_ =	shalt  }
0x49: {  	_ =	shalt  }
0x4a: {  	_ =	shalt  }
0x4b: {  	_ =	shalt  }
0x4c: {  	_ =	shalt  }
0x4d: {  	_ =	shalt  }
0x4e: {  	_ =	shalt  }
0x4f: {  	_ =	shalt  }
0x50: {  	_ =	shalt  }
0x51: {  	_ =	shalt  }
0x52: {  	_ =	shalt  }
0x53: {  	_ =	shalt  }
0x54: {  	_ =	shalt  }
0x55: {  	_ =	shalt  }
0x56: {  	_ =	shalt  }
0x57: {  	_ =	shalt  }
0x58: {  	_ =	shalt  }
0x59: {  	_ =	shalt  }
0x5a: {  	_ =	shalt  }
0x5b: {  	_ =	shalt  }
0x5c: {  	_ =	shalt  }
0x5d: {  	_ =	shalt  }
0x5e: {  	_ =	shalt  }
0x5f: {  	_ =	shalt  }
0x60: {  	_ =	shalt  }
0x61: {  	_ =	shalt  }
0x62: {  	_ =	shalt  }
0x63: {  	_ =	shalt  }
0x64: {  	_ =	shalt  }
0x65: {  	_ =	shalt  }
0x66: {  	_ =	shalt  }
0x67: {  	_ =	shalt  }
0x68: {  	_ =	shalt  }
0x69: {  	_ =	shalt  }
0x6a: {  	_ =	shalt  }
0x6b: {  	_ =	shalt  }
0x6c: {  	_ =	shalt  }
0x6d: {  	_ =	shalt  }
0x6e: {  	_ =	shalt  }
0x6f: {  	_ =	shalt  }
0x70: {  	_ =	shalt  }
0x71: {  	_ =	shalt  }
0x72: {  	_ =	shalt  }
0x73: {  	_ =	shalt  }
0x74: {  	_ =	shalt  }
0x75: {  	_ =	shalt  }
0x76: {  	_ =	shalt  }
0x77: {  	_ =	shalt  }
0x78: {  	_ =	shalt  }
0x79: {  	_ =	shalt  }
0x7a: {  	_ =	shalt  }
0x7b: {  	_ =	shalt  }
0x7c: {  	_ =	shalt  }
0x7d: {  	_ =	shalt  }
0x7e: {  	_ =	shalt  }
0x7f: {  	_ =	shalt  }
0x80: {  	_ =	shalt  }
0x81: {  	_ =	shalt  }
0x82: {  	_ =	shalt  }
0x83: {  	_ =	shalt  }
0x84: {  	_ =	shalt  }
0x85: {  	_ =	shalt  }
0x86: {  	_ =	shalt  }
0x87: {  	_ =	shalt  }
.Lfunc_end0:
.L_simem_size_0:
called_computation.1_lowered:
.L_overlay_start_0:
0x88: {  	s2 =	sld [smem:$0x3FD9]  }
0x89: {  	s3 =	sld [smem:$0x3FFE];
	_ =	sdelay $0x1  }
0x8a: {  	s1 =	srdreg.scid  }
0x8b: {  	s0 =	sand.u32 $0x1, s1  }
0x8c: {  	s17 =	sshll.u32 s0, $0xA;
	s2 =	sadd.s32 s3, s2  }
0x8d: {  	s2 =	sadd.s32 s2, s17  }
0x8e: {  	[smem:$0x3FC6] =	sst s2  }
0x8f: {  	_ = 	snop  }
0x90: {  	s2 =	sld [smem:$0x3FD0];
	(tm) =	ssettm $0x1  }
0x91: {  	s18 =	sld [smem:$0x3FFB];
	_ =	sdelay $0x3  }
0x92: {  	_ =	strace s18  }
0x93: {  	s3 =	sld [smem:$0x3FFC];
	_ =	sdelay $0x3  }
0x94: {  	_ =	strace s3  }
0x95: {  	s3 =	sld [smem:$0x3FFD];
	_ =	sdelay $0x3  }
0x96: {  	_ =	strace s3  }
0x97: {  	_ =	strace $0x8FFFFFFF  }
0x98: {  	s19 =	sld [smem:$0x3FDB];
	_ =	sdelay $0x1  }
0x99: {  	s4 =	simm.s32 $_scs_section_size  }
0x9a: {  	s5 =	simm.s32 $_size__tile_overlayer_lowered;
	s6 =	simm.s32 $_tile_overlayer_lowered  }
0x9b: {  	s22 =	simm.s32 $0x1BFF;
	s21 =	sshll.u32 s6, $0x1;
	s3 =	sadd.s32 s4, s19  }
0x9c: {  	s7 =	simm.s32 $0x0;
	s20 =	sshll.u32 s5, $0x1;
	s5 =	sadd.s32 s21, s3  }
0x9d: {  	[timem:s7], [sflag:s22] =	dma.local [hbm:s5], s20  }
0x9e: {  	_ =	swait.ge [sflag:s22], s20  }
0x9f: {  	s4 =	ssub.s32 $0x0, s20;
	[sflag:s22] =	ssyncset.done $0x0  }
0xa0: {  	[sflag:s22] =	ssyncadd.s32 s4;
	_ =	sdelay $0x1  }
0xa1: {  	s23 =	simm.s32 $0x1B8B  }
0xa2: {  	_ =	swait.ge [sflag:s23], $0x1  }
0xa3: {  	[sflag:s23] =	ssyncset.done $0x0  }
0xa4: {  	s25 =	simm.s32 $0x1B8E;
	s24 =	sld [smem:$0x3FFE];
	[sflag:s23] =	ssyncadd.s32 $0xFFFFFFFF  }
0xa5: {  	s26 =	simm.s32 $execute0_lowered;
	[smem:$0x3FD2] =	sst s25  }
0xa6: {  	s5 =	sshll.u32 s26, $0x1;
	_ =	strace $0x80000046;
	[dreg:$0x1] =	wrdreg $0xFFFFFFFF  }
0xa7: {  	s28 =	simm.s32 $_size_execute0_lowered;
	s3 =	sadd.s32 s3, s5;
	[dreg:$0x0] =	wrdreg $0x0  }
0xa8: {  	s5 =	sshll.u32 s28, $0x1;
	[dreg:$0x2] =	wrdreg s3  }
0xa9: {  	[dreg:$0x3] =	wrdreg s5  }
0xaa: {  	[dreg:$0x4] =	wrdreg $0xC0  }
0xab: {  	_ =	task [dreg:s7], $0x5FFFF  }
0xac: {  	[dreg:$0x1] =	wrdreg $0xFFFFFFFF  }
0xad: {  	[dreg:$0x0] =	wrdreg $0x60  }
0xae: {  	[dreg:$0x2] =	wrdreg s24  }
0xaf: {  	[dreg:$0x3] =	wrdreg s2  }
0xb0: {  	[dreg:$0x4] =	wrdreg $0x9  }
0xb1: {  	_ =	task.clear_ibuf [dreg:s7], $0x5FFFF;
	_ =	strace $0x90000046  }
0xb2: {  	s29 =	simm.s32 $0x9;
	_ =	strace $0x80000048  }
0xb3: {  	_ =	swait.ge [sflag:s29], $0x1  }
0xb4: {  	[sflag:s29] =	ssyncadd.s32 $0xFFFFFFFF  }
0xb5: {  	_ =	strace $0x90000048  }
0xb6: {  	_ =	sfence  }
0xb7: {  	s30 =	sld [smem:$0x0];
	_ =	sdelay $0x2  }
0xb8: {  	s31 =	sshll.u32 s1, $0xD;
	s1 =	sshrl.u32 s1, $0x2  }
0xb9: {  	s3 =	sand.u32 $0x4000, s31;
	s1 =	sadd.s32 s1, s30  }
0xba: {  	s0 =	sor.u32 s3, s0;
	s1 =	sshll.u32 s1, $0x11  }
0xbb: {  	s0 =	sor.u32 s1, s0  }
0xbc: {  	s0 =	sadd.s32 $0x8F2B, s0  }
0xbd: {  	[sflag:s0] =	ssyncadd.remote.s32 $0x1  }
0xbe: {  	_ =	sfence.sel $0xFFFF  }
0xbf: {  	[dreg:$0x0] =	wrdreg $0xFFFFFFFF;
	(pc) =	sbr.abs _section_cstart, $3  }
0xc0: {  	[dreg:$0x1] =	wrdreg $0xFFFFFFFF  }
0xc1: {  	_ =	task.clear_ibuf [dreg:s7], $0x2FFFF;
	_ =	strace $0x9FFFFFFF  }
0xc2: {  	(tm) =	ssettm $0x7FFFFFFF  }
0xc3: {  	_ =	shalt  }
tec
execute0_lowered:
.L_overlay_start_1:
0x0: {  	(tag) =	ssettag $0x1  }
0x1: {  	s1 =	srdreg.scid;
	s6 =	rddreg [dreg:$0x0]  }
0x2: {  	s0 =	stileid.u32;
	s2 =	rddreg [dreg:$0x1];
	s4 =	simm.s32 $0x0  }
0x3: {  	s9 =	simm.s32 $0x320;
	s10 =	simm.s32 $0x6400;
	s11 =	simm.s32 $0x12C00  }
0x4: {  	s12 =	simm.s32 $0x1;
	s5 =	sand.u32 $0x1, s1;
	s31 =	sshll.u32 s0, $0x1  }
0x5: {  	s13 =	simm.s32 $0x2;
	s14 =	simm.s32 $0x3;
	s1 =	sor.u32 s5, s31  }
0x6: {  	s15 =	simm.s32 $0x4;
	[smem:$0x7FF] =	sst s4;
	s3 =	smul.u32 $0x6400, s1  }
0x7: {  	s16 =	simm.s32 $0x0;
	s5 =	ssub.s32 $0x2, s5;
	s1 =	rddreg [dreg:$0x2]  }
0x8: {  	s8 =	sshrl.u32 s5, $0x1;
	_ =	strace $0x80000047;
	s7 =	sshrl.u32 s3, $0x3  }
0x9: {  	s8 =	ssub.s32 s5, s8;
	s5 =	sadd.s32 $0xF42E00, s6;
	s7 =	sadd.s32 s7, s6  }
0xa: {  	s6 =	sadd.s32 $0xA00, s7;
	s7 =	smax.u32 s8, $0x1;
	s8 =	simm.s32 $0x5  }
.LBB2_1:
0xb: {  	[tilespmem:s4], [sflag:$0x5] =	stream.linear.gather [hbm4b:s6+s4], $0x6400, $0x38;
	[tilespmem:$0x1F400] =	vst v63  }
0xc: {  	_ =	swait.ge [sflag:s8], $0x6400  }
0xd: {  	[sflag:s8] =	ssyncset.done $0x0  }
0xe: {  	s17 =	simm.s32 $0x0;
	[sflag:s8] =	ssyncadd.s32 $0xFFFF9C00  }
0xf: {  	[tilespmem:s10], [sflag:$0x1] =	stream.indirect.gather [hbm4b:s5+s9], $0x40, s4, s9, $0xb8;
	[tilespmem:$0x1F400] =	vst v63  }
.LBB2_2:
0x10: {  	p0 =	seq.s32 s17, $0x0  }
0x11: {  	s18 =	simm.s32 @!p0 $0x4  }
0x12: {  	s19 =	smul.u32 $0x640, s17;
	_ =	swait.ge @!p0 [sflag:s18], $0xC800  }
0x13: {  	[sflag:s18] =	ssyncset.done @!p0 $0x0  }
0x14: {  	[sflag:s18] =	ssyncadd.s32 @!p0 $0xFFFF3800;
	s18 =	sadd.s32 $0x320, s19  }
0x15: {  	[tilespmem:s11], [sflag:$0x2] =	stream.indirect.gather [hbm4b:s5+s9], $0x40, s18, s9, $0xb8;
	[tilespmem:$0x1F400] =	vst v63  }
0x16: {  	_ =	swait.ge [sflag:s12], $0xC800  }
0x17: {  	[sflag:s12] =	ssyncset.done $0x0  }
0x18: {  	s20 =	simm.s32 $0x0;
	[sflag:s12] =	ssyncadd.s32 $0xFFFF3800  }
0x19: {  	v0 =	vld [tilespmem:s20+$0x6400]  }
0x1a: {  	v1 =	vld [tilespmem:s20+$0x6410]  }
0x1b: {  	v2 =	vld [tilespmem:s20+$0x6420]  }
0x1c: {  	v3 =	vld [tilespmem:s20+$0x6430]  }
0x1d: {  	v4 =	vld [tilespmem:s20+$0x6440]  }
0x1e: {  	v5 =	vld [tilespmem:s20+$0x6450];
	v0 =	vmul.f32 $8.000000000e+00, v0  }
0x1f: {  	v6 =	vld [tilespmem:s20+$0x6460];
	v1 =	vmul.f32 $8.000000000e+00, v1  }
0x20: {  	v2 =	vmul.f32 $8.000000000e+00, v2;
	[tilespmem:s20+$0x6400] =	vst v0;
	v0 =	vld [tilespmem:s20+$0x6470]  }
0x21: {  	v3 =	vmul.f32 $8.000000000e+00, v3;
	[tilespmem:s20+$0x6410] =	vst v1;
	v1 =	vld [tilespmem:s20+$0x6480]  }
0x22: {  	v4 =	vmul.f32 $8.000000000e+00, v4;
	[tilespmem:s20+$0x6420] =	vst v2;
	v2 =	vld [tilespmem:s20+$0x6490]  }
0x23: {  	v5 =	vmul.f32 $8.000000000e+00, v5;
	[tilespmem:s20+$0x6430] =	vst v3;
	v3 =	vld [tilespmem:s20+$0x64A0]  }
0x24: {  	v6 =	vmul.f32 $8.000000000e+00, v6;
	[tilespmem:s20+$0x6440] =	vst v4;
	v4 =	vld [tilespmem:s20+$0x64B0]  }
0x25: {  	[tilespmem:s20+$0x6450] =	vst v5;
	v5 =	vld [tilespmem:s20+$0x64C0];
	v0 =	vmul.f32 $8.000000000e+00, v0  }
0x26: {  	[tilespmem:s20+$0x6460] =	vst v6;
	v6 =	vld [tilespmem:s20+$0x64D0];
	v1 =	vmul.f32 $8.000000000e+00, v1  }
0x27: {  	v2 =	vmul.f32 $8.000000000e+00, v2;
	[tilespmem:s20+$0x6470] =	vst v0;
	v0 =	vld [tilespmem:s20+$0x64E0]  }
0x28: {  	v3 =	vmul.f32 $8.000000000e+00, v3;
	[tilespmem:s20+$0x6480] =	vst v1;
	v1 =	vld [tilespmem:s20+$0x64F0]  }
0x29: {  	v4 =	vmul.f32 $8.000000000e+00, v4;
	[tilespmem:s20+$0x6490] =	vst v2;
	v2 =	vld [tilespmem:s20+$0x6500]  }
0x2a: {  	v5 =	vmul.f32 $8.000000000e+00, v5;
	[tilespmem:s20+$0x64A0] =	vst v3;
	v3 =	vld [tilespmem:s20+$0x6510]  }
0x2b: {  	v6 =	vmul.f32 $8.000000000e+00, v6;
	[tilespmem:s20+$0x64B0] =	vst v4;
	v4 =	vld [tilespmem:s20+$0x6520]  }
0x2c: {  	[tilespmem:s20+$0x64C0] =	vst v5;
	v5 =	vld [tilespmem:s20+$0x6530];
	v0 =	vmul.f32 $8.000000000e+00, v0  }
0x2d: {  	[tilespmem:s20+$0x64D0] =	vst v6;
	v6 =	vld [tilespmem:s20+$0x6540]  }
0x2e: {  	v1 =	vmul.f32 $8.000000000e+00, v1;
	[tilespmem:s20+$0x64E0] =	vst v0;
	v0 =	vld [tilespmem:s20+$0x6550]  }
0x2f: {  	v2 =	vmul.f32 $8.000000000e+00, v2  }
0x30: {  	[tilespmem:s20+$0x64F0] =	vst v1;
	v1 =	vmul.f32 $8.000000000e+00, v3;
	v3 =	vld [tilespmem:s20+$0x6570]  }
0x31: {  	v7 =	vld [tilespmem:s20+$0x6560];
	[tilespmem:s20+$0x6500] =	vst v2;
	v2 =	vmul.f32 $8.000000000e+00, v4  }
0x32: {  	v4 =	vld [tilespmem:s20+$0x6580];
	[tilespmem:s20+$0x6510] =	vst v1;
	v1 =	vmul.f32 $8.000000000e+00, v5  }
0x33: {  	[tilespmem:s20+$0x6520] =	vst v2;
	v5 =	vld [tilespmem:s20+$0x6590];
	v2 =	vmul.f32 $8.000000000e+00, v6;
	v6 =	vmul.f32 $8.000000000e+00, v0  }
0x34: {  	[tilespmem:s20+$0x6530] =	vst v1;
	v1 =	vld [tilespmem:s20+$0x65A0]  }
0x35: {  	v0 =	vld [tilespmem:s20+$0x65B0];
	[tilespmem:s20+$0x6550] =	vst v6;
	v6 =	vmul.f32 $8.000000000e+00, v3  }
0x36: {  	v7 =	vmul.f32 $8.000000000e+00, v7;
	[tilespmem:s20+$0x6540] =	vst v2;
	v2 =	vld [tilespmem:s20+$0x65C0]  }
0x37: {  	v3 =	vld [tilespmem:s20+$0x65D0];
	[tilespmem:s20+$0x6570] =	vst v6;
	v6 =	vmul.f32 $8.000000000e+00, v4  }
0x38: {  	s21 =	simm.s32 $0x800;
	[tilespmem:s20+$0x6560] =	vst v7;
	v5 =	vmul.f32 $8.000000000e+00, v5;
	v4 =	vld [tilespmem:s20+$0x65E0]  }
.LBB2_3:
0x39: {  	s22 =	sshra.s32 s21, $0x2;
	p0 =	sne.s32 s21, $0x31800;
	[tilespmem:s20+$0x6580] =	vst v6;
	v1 =	vmul.f32 $8.000000000e+00, v1;
	v6 =	vld [tilespmem:s20+$0x65F0]  }
0x3a: {  	v7 =	vld [tilespmem:s22+$0x6400];
	[tilespmem:s20+$0x6590] =	vst v5;
	v0 =	vmul.f32 $8.000000000e+00, v0  }
0x3b: {  	v5 =	vld [tilespmem:s22+$0x6410];
	[tilespmem:s20+$0x65A0] =	vst v1;
	v1 =	vmul.f32 $8.000000000e+00, v2  }
0x3c: {  	v2 =	vld [tilespmem:s22+$0x6420];
	[tilespmem:s20+$0x65B0] =	vst v0;
	v0 =	vmul.f32 $8.000000000e+00, v3  }
0x3d: {  	v3 =	vld [tilespmem:s22+$0x6430];
	[tilespmem:s20+$0x65C0] =	vst v1;
	v1 =	vmul.f32 $8.000000000e+00, v4  }
0x3e: {  	v4 =	vld [tilespmem:s22+$0x6440];
	[tilespmem:s20+$0x65D0] =	vst v0;
	v0 =	vmul.f32 $8.000000000e+00, v6  }
0x3f: {  	v6 =	vmul.f32 $8.000000000e+00, v7;
	v7 =	vld [tilespmem:s22+$0x6450];
	[tilespmem:s20+$0x65E0] =	vst v1  }
0x40: {  	v1 =	vmul.f32 $8.000000000e+00, v5;
	v5 =	vld [tilespmem:s22+$0x6460];
	[tilespmem:s20+$0x65F0] =	vst v0;
	s20 =	smov.u32 s22  }
0x41: {  	[tilespmem:s20+$0x6400] =	vst v6;
	v0 =	vmul.f32 $8.000000000e+00, v2;
	v2 =	vld [tilespmem:s20+$0x6470]  }
0x42: {  	[tilespmem:s20+$0x6410] =	vst v1;
	v1 =	vmul.f32 $8.000000000e+00, v3;
	v3 =	vld [tilespmem:s20+$0x6480]  }
0x43: {  	[tilespmem:s20+$0x6420] =	vst v0;
	v0 =	vmul.f32 $8.000000000e+00, v4;
	v4 =	vld [tilespmem:s20+$0x6490]  }
0x44: {  	[tilespmem:s20+$0x6430] =	vst v1;
	v1 =	vmul.f32 $8.000000000e+00, v7;
	v6 =	vld [tilespmem:s20+$0x64A0]  }
0x45: {  	[tilespmem:s20+$0x6440] =	vst v0;
	v0 =	vmul.f32 $8.000000000e+00, v5;
	v5 =	vld [tilespmem:s20+$0x64B0]  }
0x46: {  	[tilespmem:s20+$0x6450] =	vst v1;
	v1 =	vmul.f32 $8.000000000e+00, v2;
	v2 =	vld [tilespmem:s20+$0x64C0]  }
0x47: {  	[tilespmem:s20+$0x6460] =	vst v0;
	v0 =	vmul.f32 $8.000000000e+00, v3;
	v3 =	vld [tilespmem:s20+$0x64D0]  }
0x48: {  	[tilespmem:s20+$0x6470] =	vst v1;
	v1 =	vmul.f32 $8.000000000e+00, v4;
	v4 =	vld [tilespmem:s20+$0x64E0]  }
0x49: {  	[tilespmem:s20+$0x6480] =	vst v0;
	v0 =	vmul.f32 $8.000000000e+00, v6;
	v6 =	vld [tilespmem:s20+$0x64F0]  }
0x4a: {  	[tilespmem:s20+$0x6490] =	vst v1;
	v1 =	vmul.f32 $8.000000000e+00, v5;
	v5 =	vld [tilespmem:s20+$0x6500]  }
0x4b: {  	[tilespmem:s20+$0x64A0] =	vst v0;
	v0 =	vmul.f32 $8.000000000e+00, v2;
	v2 =	vld [tilespmem:s20+$0x6510]  }
0x4c: {  	[tilespmem:s20+$0x64B0] =	vst v1;
	v1 =	vmul.f32 $8.000000000e+00, v3;
	v3 =	vld [tilespmem:s20+$0x6520]  }
0x4d: {  	[tilespmem:s20+$0x64C0] =	vst v0;
	v0 =	vmul.f32 $8.000000000e+00, v4;
	v4 =	vld [tilespmem:s20+$0x6530]  }
0x4e: {  	[tilespmem:s20+$0x64D0] =	vst v1;
	v1 =	vmul.f32 $8.000000000e+00, v6;
	v6 =	vld [tilespmem:s20+$0x6540]  }
0x4f: {  	[tilespmem:s20+$0x64E0] =	vst v0;
	v0 =	vmul.f32 $8.000000000e+00, v5;
	v5 =	vld [tilespmem:s20+$0x6550]  }
0x50: {  	[tilespmem:s20+$0x64F0] =	vst v1;
	v1 =	vmul.f32 $8.000000000e+00, v2;
	v2 =	vld [tilespmem:s20+$0x6560]  }
0x51: {  	[tilespmem:s20+$0x6500] =	vst v0;
	v0 =	vmul.f32 $8.000000000e+00, v3;
	v3 =	vld [tilespmem:s20+$0x6570]  }
0x52: {  	[tilespmem:s20+$0x6510] =	vst v1;
	v1 =	vmul.f32 $8.000000000e+00, v4;
	v4 =	vld [tilespmem:s20+$0x6580]  }
0x53: {  	[tilespmem:s20+$0x6520] =	vst v0;
	v0 =	vmul.f32 $8.000000000e+00, v6;
	v7 =	vld [tilespmem:s20+$0x6590]  }
.Ltmp0:
0x54: {  	[tilespmem:s20+$0x6530] =	vst v1;
	v5 =	vmul.f32 $8.000000000e+00, v5;
	v1 =	vld [tilespmem:s20+$0x65A0];
	(pc) =	sbr.rel @p0 .LBB2_3-.Ltmp0, $4  }
0x55: {  	[tilespmem:s20+$0x6540] =	vst v0;
	v6 =	vmul.f32 $8.000000000e+00, v2;
	v0 =	vld [tilespmem:s20+$0x65B0]  }
0x56: {  	[tilespmem:s20+$0x6550] =	vst v5;
	v5 =	vmul.f32 $8.000000000e+00, v3;
	v2 =	vld [tilespmem:s20+$0x65C0]  }
0x57: {  	[tilespmem:s20+$0x6560] =	vst v6;
	v6 =	vmul.f32 $8.000000000e+00, v4;
	v3 =	vld [tilespmem:s20+$0x65D0]  }
0x58: {  	s21 =	sadd.s32 $0x800, s21;
	[tilespmem:s20+$0x6570] =	vst v5;
	v5 =	vmul.f32 $8.000000000e+00, v7;
	v4 =	vld [tilespmem:s20+$0x65E0]  }
0x59: {  	[tilespmem:s20+$0x6580] =	vst v6;
	v1 =	vmul.f32 $8.000000000e+00, v1;
	v6 =	vld [tilespmem:s20+$0x65F0]  }
0x5a: {  	[tilespmem:s20+$0x6590] =	vst v5;
	v0 =	vmul.f32 $8.000000000e+00, v0  }
0x5b: {  	[tilespmem:s20+$0x65A0] =	vst v1;
	v1 =	vmul.f32 $8.000000000e+00, v2  }
0x5c: {  	[tilespmem:s20+$0x65B0] =	vst v0;
	v0 =	vmul.f32 $8.000000000e+00, v3  }
0x5d: {  	[tilespmem:s20+$0x65C0] =	vst v1;
	v1 =	vmul.f32 $8.000000000e+00, v4  }
0x5e: {  	s19 =	sadd.s32 s3, s19;
	[tilespmem:s20+$0x65D0] =	vst v0;
	v0 =	vmul.f32 $8.000000000e+00, v6  }
0x5f: {  	s19 =	sshll.u32 s19, $0x3;
	[tilespmem:s20+$0x65E0] =	vst v1  }
0x60: {  	p0 =	seq.s32 s17, $0xF;
	s19 =	sadd.s32 s2, s19;
	[tilespmem:s20+$0x65F0] =	vst v0  }
0x61: {  	[hbm4b:s19+s4] =	stream.linear.scatter [tilespmem:s10], [sflag:$0x3], $0xC800, $0x38;
	[tilespmem:$0x1F400] =	vst v63  }
0x62: {  	s19 =	simm.s32 @!p0 $0x3  }
0x63: {  	s20 =	smul.u32 @!p0 $0x1900, s17;
	_ =	swait.ge @!p0 [sflag:s19], $0xC800  }
0x64: {  	[sflag:s19] =	ssyncset.done @!p0 $0x0  }
0x65: {  	[sflag:s19] =	ssyncadd.s32 @!p0 $0xFFFF3800;
	s19 =	sshra.s32 @!p0 s20, $0x2  }
0x66: {  	s21 =	simm.s32 @!p0 $0x6400;
	s20 =	simm.s32 @!p0 $0x320;
	s19 =	sadd.s32 @!p0 $0x640, s19  }
0x67: {  	[tilespmem:s21], [sflag:$0x1] =	stream.indirect.gather @!p0 [hbm4b:s5+s20], $0x40, s19, s20, $0xb8;
	[tilespmem:$0x1F400] =	vst v63  }
0x68: {  	_ =	swait.ge [sflag:s13], $0xC800  }
0x69: {  	[sflag:s13] =	ssyncset.done $0x0  }
0x6a: {  	s19 =	simm.s32 $0x0;
	[sflag:s13] =	ssyncadd.s32 $0xFFFF3800  }
0x6b: {  	v0 =	vld [tilespmem:s19+$0x12C00]  }
0x6c: {  	v1 =	vld [tilespmem:s19+$0x12C10]  }
0x6d: {  	v2 =	vld [tilespmem:s19+$0x12C20]  }
0x6e: {  	v3 =	vld [tilespmem:s19+$0x12C30]  }
0x6f: {  	v4 =	vld [tilespmem:s19+$0x12C40]  }
0x70: {  	v5 =	vld [tilespmem:s19+$0x12C50];
	v0 =	vmul.f32 $8.000000000e+00, v0  }
0x71: {  	v6 =	vld [tilespmem:s19+$0x12C60];
	v1 =	vmul.f32 $8.000000000e+00, v1  }
0x72: {  	v2 =	vmul.f32 $8.000000000e+00, v2;
	[tilespmem:s19+$0x12C00] =	vst v0;
	v0 =	vld [tilespmem:s19+$0x12C70]  }
0x73: {  	v3 =	vmul.f32 $8.000000000e+00, v3;
	[tilespmem:s19+$0x12C10] =	vst v1;
	v1 =	vld [tilespmem:s19+$0x12C80]  }
0x74: {  	v4 =	vmul.f32 $8.000000000e+00, v4;
	[tilespmem:s19+$0x12C20] =	vst v2;
	v2 =	vld [tilespmem:s19+$0x12C90]  }
0x75: {  	v5 =	vmul.f32 $8.000000000e+00, v5;
	[tilespmem:s19+$0x12C30] =	vst v3;
	v3 =	vld [tilespmem:s19+$0x12CA0]  }
0x76: {  	v6 =	vmul.f32 $8.000000000e+00, v6;
	[tilespmem:s19+$0x12C40] =	vst v4;
	v4 =	vld [tilespmem:s19+$0x12CB0]  }
0x77: {  	[tilespmem:s19+$0x12C50] =	vst v5;
	v5 =	vld [tilespmem:s19+$0x12CC0];
	v0 =	vmul.f32 $8.000000000e+00, v0  }
0x78: {  	[tilespmem:s19+$0x12C60] =	vst v6;
	v6 =	vld [tilespmem:s19+$0x12CD0];
	v1 =	vmul.f32 $8.000000000e+00, v1  }
0x79: {  	v2 =	vmul.f32 $8.000000000e+00, v2;
	[tilespmem:s19+$0x12C70] =	vst v0;
	v0 =	vld [tilespmem:s19+$0x12CE0]  }
0x7a: {  	v3 =	vmul.f32 $8.000000000e+00, v3;
	[tilespmem:s19+$0x12C80] =	vst v1;
	v1 =	vld [tilespmem:s19+$0x12CF0]  }
0x7b: {  	v4 =	vmul.f32 $8.000000000e+00, v4;
	[tilespmem:s19+$0x12C90] =	vst v2;
	v2 =	vld [tilespmem:s19+$0x12D00]  }
0x7c: {  	v5 =	vmul.f32 $8.000000000e+00, v5;
	[tilespmem:s19+$0x12CA0] =	vst v3;
	v3 =	vld [tilespmem:s19+$0x12D10]  }
0x7d: {  	v6 =	vmul.f32 $8.000000000e+00, v6;
	[tilespmem:s19+$0x12CB0] =	vst v4;
	v4 =	vld [tilespmem:s19+$0x12D20]  }
0x7e: {  	[tilespmem:s19+$0x12CC0] =	vst v5;
	v5 =	vld [tilespmem:s19+$0x12D30];
	v0 =	vmul.f32 $8.000000000e+00, v0  }
0x7f: {  	[tilespmem:s19+$0x12CD0] =	vst v6;
	v6 =	vld [tilespmem:s19+$0x12D40]  }
0x80: {  	v1 =	vmul.f32 $8.000000000e+00, v1;
	[tilespmem:s19+$0x12CE0] =	vst v0;
	v0 =	vld [tilespmem:s19+$0x12D50]  }
0x81: {  	v2 =	vmul.f32 $8.000000000e+00, v2  }
0x82: {  	[tilespmem:s19+$0x12CF0] =	vst v1;
	v1 =	vmul.f32 $8.000000000e+00, v3;
	v3 =	vld [tilespmem:s19+$0x12D70]  }
0x83: {  	v7 =	vld [tilespmem:s19+$0x12D60];
	[tilespmem:s19+$0x12D00] =	vst v2;
	v2 =	vmul.f32 $8.000000000e+00, v4  }
0x84: {  	v4 =	vld [tilespmem:s19+$0x12D80];
	[tilespmem:s19+$0x12D10] =	vst v1;
	v1 =	vmul.f32 $8.000000000e+00, v5  }
0x85: {  	[tilespmem:s19+$0x12D20] =	vst v2;
	v5 =	vld [tilespmem:s19+$0x12D90];
	v2 =	vmul.f32 $8.000000000e+00, v6;
	v6 =	vmul.f32 $8.000000000e+00, v0  }
0x86: {  	[tilespmem:s19+$0x12D30] =	vst v1;
	v1 =	vld [tilespmem:s19+$0x12DA0]  }
0x87: {  	v0 =	vld [tilespmem:s19+$0x12DB0];
	[tilespmem:s19+$0x12D50] =	vst v6;
	v6 =	vmul.f32 $8.000000000e+00, v3  }
0x88: {  	v7 =	vmul.f32 $8.000000000e+00, v7;
	[tilespmem:s19+$0x12D40] =	vst v2;
	v2 =	vld [tilespmem:s19+$0x12DC0]  }
0x89: {  	v3 =	vld [tilespmem:s19+$0x12DD0];
	[tilespmem:s19+$0x12D70] =	vst v6;
	v6 =	vmul.f32 $8.000000000e+00, v4  }
0x8a: {  	s20 =	simm.s32 $0x800;
	[tilespmem:s19+$0x12D60] =	vst v7;
	v5 =	vmul.f32 $8.000000000e+00, v5;
	v4 =	vld [tilespmem:s19+$0x12DE0]  }
.LBB2_5:
0x8b: {  	s21 =	sshra.s32 s20, $0x2;
	p0 =	sne.s32 s20, $0x31800;
	[tilespmem:s19+$0x12D80] =	vst v6;
	v1 =	vmul.f32 $8.000000000e+00, v1;
	v6 =	vld [tilespmem:s19+$0x12DF0]  }
0x8c: {  	v7 =	vld [tilespmem:s21+$0x12C00];
	[tilespmem:s19+$0x12D90] =	vst v5;
	v0 =	vmul.f32 $8.000000000e+00, v0  }
0x8d: {  	v5 =	vld [tilespmem:s21+$0x12C10];
	[tilespmem:s19+$0x12DA0] =	vst v1;
	v1 =	vmul.f32 $8.000000000e+00, v2  }
0x8e: {  	v2 =	vld [tilespmem:s21+$0x12C20];
	[tilespmem:s19+$0x12DB0] =	vst v0;
	v0 =	vmul.f32 $8.000000000e+00, v3  }
0x8f: {  	v3 =	vld [tilespmem:s21+$0x12C30];
	[tilespmem:s19+$0x12DC0] =	vst v1;
	v1 =	vmul.f32 $8.000000000e+00, v4  }
0x90: {  	v4 =	vld [tilespmem:s21+$0x12C40];
	[tilespmem:s19+$0x12DD0] =	vst v0;
	v0 =	vmul.f32 $8.000000000e+00, v6  }
0x91: {  	v6 =	vmul.f32 $8.000000000e+00, v7;
	v7 =	vld [tilespmem:s21+$0x12C50];
	[tilespmem:s19+$0x12DE0] =	vst v1  }
0x92: {  	v1 =	vmul.f32 $8.000000000e+00, v5;
	v5 =	vld [tilespmem:s21+$0x12C60];
	[tilespmem:s19+$0x12DF0] =	vst v0;
	s19 =	smov.u32 s21  }
0x93: {  	[tilespmem:s19+$0x12C00] =	vst v6;
	v0 =	vmul.f32 $8.000000000e+00, v2;
	v2 =	vld [tilespmem:s19+$0x12C70]  }
0x94: {  	[tilespmem:s19+$0x12C10] =	vst v1;
	v1 =	vmul.f32 $8.000000000e+00, v3;
	v3 =	vld [tilespmem:s19+$0x12C80]  }
0x95: {  	[tilespmem:s19+$0x12C20] =	vst v0;
	v0 =	vmul.f32 $8.000000000e+00, v4;
	v4 =	vld [tilespmem:s19+$0x12C90]  }
0x96: {  	[tilespmem:s19+$0x12C30] =	vst v1;
	v1 =	vmul.f32 $8.000000000e+00, v7;
	v6 =	vld [tilespmem:s19+$0x12CA0]  }
0x97: {  	[tilespmem:s19+$0x12C40] =	vst v0;
	v0 =	vmul.f32 $8.000000000e+00, v5;
	v5 =	vld [tilespmem:s19+$0x12CB0]  }
0x98: {  	[tilespmem:s19+$0x12C50] =	vst v1;
	v1 =	vmul.f32 $8.000000000e+00, v2;
	v2 =	vld [tilespmem:s19+$0x12CC0]  }
0x99: {  	[tilespmem:s19+$0x12C60] =	vst v0;
	v0 =	vmul.f32 $8.000000000e+00, v3;
	v3 =	vld [tilespmem:s19+$0x12CD0]  }
0x9a: {  	[tilespmem:s19+$0x12C70] =	vst v1;
	v1 =	vmul.f32 $8.000000000e+00, v4;
	v4 =	vld [tilespmem:s19+$0x12CE0]  }
0x9b: {  	[tilespmem:s19+$0x12C80] =	vst v0;
	v0 =	vmul.f32 $8.000000000e+00, v6;
	v6 =	vld [tilespmem:s19+$0x12CF0]  }
0x9c: {  	[tilespmem:s19+$0x12C90] =	vst v1;
	v1 =	vmul.f32 $8.000000000e+00, v5;
	v5 =	vld [tilespmem:s19+$0x12D00]  }
0x9d: {  	[tilespmem:s19+$0x12CA0] =	vst v0;
	v0 =	vmul.f32 $8.000000000e+00, v2;
	v2 =	vld [tilespmem:s19+$0x12D10]  }
0x9e: {  	[tilespmem:s19+$0x12CB0] =	vst v1;
	v1 =	vmul.f32 $8.000000000e+00, v3;
	v3 =	vld [tilespmem:s19+$0x12D20]  }
0x9f: {  	[tilespmem:s19+$0x12CC0] =	vst v0;
	v0 =	vmul.f32 $8.000000000e+00, v4;
	v4 =	vld [tilespmem:s19+$0x12D30]  }
0xa0: {  	[tilespmem:s19+$0x12CD0] =	vst v1;
	v1 =	vmul.f32 $8.000000000e+00, v6;
	v6 =	vld [tilespmem:s19+$0x12D40]  }
0xa1: {  	[tilespmem:s19+$0x12CE0] =	vst v0;
	v0 =	vmul.f32 $8.000000000e+00, v5;
	v5 =	vld [tilespmem:s19+$0x12D50]  }
0xa2: {  	[tilespmem:s19+$0x12CF0] =	vst v1;
	v1 =	vmul.f32 $8.000000000e+00, v2;
	v2 =	vld [tilespmem:s19+$0x12D60]  }
0xa3: {  	[tilespmem:s19+$0x12D00] =	vst v0;
	v0 =	vmul.f32 $8.000000000e+00, v3;
	v3 =	vld [tilespmem:s19+$0x12D70]  }
0xa4: {  	[tilespmem:s19+$0x12D10] =	vst v1;
	v1 =	vmul.f32 $8.000000000e+00, v4;
	v4 =	vld [tilespmem:s19+$0x12D80]  }
0xa5: {  	[tilespmem:s19+$0x12D20] =	vst v0;
	v0 =	vmul.f32 $8.000000000e+00, v6;
	v7 =	vld [tilespmem:s19+$0x12D90]  }
.Ltmp1:
0xa6: {  	[tilespmem:s19+$0x12D30] =	vst v1;
	v5 =	vmul.f32 $8.000000000e+00, v5;
	v1 =	vld [tilespmem:s19+$0x12DA0];
	(pc) =	sbr.rel @p0 .LBB2_5-.Ltmp1, $4  }
0xa7: {  	[tilespmem:s19+$0x12D40] =	vst v0;
	v6 =	vmul.f32 $8.000000000e+00, v2;
	v0 =	vld [tilespmem:s19+$0x12DB0]  }
0xa8: {  	[tilespmem:s19+$0x12D50] =	vst v5;
	v5 =	vmul.f32 $8.000000000e+00, v3;
	v2 =	vld [tilespmem:s19+$0x12DC0]  }
0xa9: {  	[tilespmem:s19+$0x12D60] =	vst v6;
	v6 =	vmul.f32 $8.000000000e+00, v4;
	v3 =	vld [tilespmem:s19+$0x12DD0]  }
0xaa: {  	s20 =	sadd.s32 $0x800, s20;
	[tilespmem:s19+$0x12D70] =	vst v5;
	v5 =	vmul.f32 $8.000000000e+00, v7;
	v4 =	vld [tilespmem:s19+$0x12DE0]  }
0xab: {  	[tilespmem:s19+$0x12D80] =	vst v6;
	v1 =	vmul.f32 $8.000000000e+00, v1;
	v59 =	vld [tilespmem:s19+$0x12DF0]  }
0xac: {  	[tilespmem:s19+$0x12D90] =	vst v5;
	v0 =	vmul.f32 $8.000000000e+00, v0  }
0xad: {  	s17 =	sadd.s32 $0x1, s17;
	[tilespmem:s19+$0x12DA0] =	vst v1;
	v60 =	vmul.f32 $8.000000000e+00, v2  }
0xae: {  	p0 =	sne.s32 s17, $0x10;
	[tilespmem:s19+$0x12DB0] =	vst v0;
	v61 =	vmul.f32 $8.000000000e+00, v3  }
.Ltmp2:
0xaf: {  	s18 =	sadd.s32 s3, s18;
	[tilespmem:s19+$0x12DC0] =	vst v60;
	v62 =	vmul.f32 $8.000000000e+00, v4;
	(pc) =	sbr.rel @p0 .LBB2_2-.Ltmp2, $4  }
0xb0: {  	s18 =	sshll.u32 s18, $0x3;
	[tilespmem:s19+$0x12DD0] =	vst v61;
	v63 =	vmul.f32 $8.000000000e+00, v59  }
0xb1: {  	s18 =	sand.u32 $0x1FFFFF00, s18;
	[tilespmem:s19+$0x12DE0] =	vst v62  }
0xb2: {  	s18 =	sadd.s32 s2, s18;
	[tilespmem:s19+$0x12DF0] =	vst v63  }
0xb3: {  	[hbm4b:s18+s4] =	stream.linear.scatter [tilespmem:s11], [sflag:$0x4], $0xC800, $0x38;
	[tilespmem:$0x1F400] =	vst v63  }
0xb4: {  	s16 =	sadd.s32 $0x1, s16  }
0xb5: {  	_ =	swait.ge [sflag:s14], $0xC800;
	p0 =	sne.s32 s16, s7  }
.Ltmp3:
0xb6: {  	[sflag:s14] =	ssyncset.done $0x0;
	(pc) =	sbr.rel @p0 .LBB2_1-.Ltmp3, $4  }
0xb7: {  	[sflag:s14] =	ssyncadd.s32 $0xFFFF3800  }
0xb8: {  	_ =	swait.ge [sflag:s15], $0xC800  }
0xb9: {  	[sflag:s15] =	ssyncset.done $0x0  }
0xba: {  	[sflag:s15] =	ssyncadd.s32 $0xFFFF3800  }
0xbb: {  	_ =	sfence.sel $0x180000  }
0xbc: {  	[bflag:$0x0] =	sbarrier.arrive $0xFFFF  }
0xbd: {  	p0 =	sne.s32 s0, $0x0;
	_ =	strace $0x90000047  }
0xbe: {  	s0 =	sadd.s32 @!p0 $0x100000, s1;
	[bflag:$0x2] =	sbarrier.arrive $0xFFFF  }
0xbf: {  	[sflag:s0] =	ssyncadd.tile.s32 @!p0 $0x1;
	_ =	shalt  }
.Lfunc_end2:
_tile_overlayer_lowered:
.L_overlay_start_2:
0xc0: {  	(tag) =	ssettag $0x2  }
0xc1: {  	s0 =	rddreg [dreg:$0x0];
	s2 =	stileid.u32  }
0xc2: {  	s1 =	rddreg [dreg:$0x1];
	p0 =	sne.s32 s2, $0x0  }
0xc3: {  	s3 =	rddreg [dreg:$0x2];
	[bflag:$0x3] =	sbarrier.arrive $0xFFFF;
	s2 =	simm.s32 @!p0 $0x1C05  }
0xc4: {  	[timem:s3], [sflag:s2] =	dma.local @!p0 [hbm:s0], s1  }
0xc5: {  	s0 =	simm.s32 @!p0 $0x5  }
0xc6: {  	_ =	swait.ge @!p0 [sflag:s0], s1  }
0xc7: {  	s1 =	ssub.s32 @!p0 $0x0, s1;
	[sflag:s0] =	ssyncset.done @!p0 $0x0  }
0xc8: {  	[sflag:s0] =	ssyncadd.s32 @!p0 s1  }
0xc9: {  	[bflag:$0x3] =	sbarrier.arrive $0xFFFF  }
0xca: {  	_ =	shalt  }

// kernel: sparse-core-data-format-call.cloned.1.call-start
scs
called_computation_lowered:
.L_overlay_start_0:
0x0: {  	s2 =	sld [smem:$0x3FD9]  }
0x1: {  	s3 =	sld [smem:$0x3FFE];
	_ =	sdelay $0x1  }
0x2: {  	s1 =	srdreg.scid  }
0x3: {  	s0 =	sand.u32 $0x1, s1  }
0x4: {  	s18 =	sshll.u32 s0, $0xA;
	s2 =	sadd.s32 s3, s2  }
0x5: {  	s2 =	sadd.s32 s2, s18  }
0x6: {  	[smem:$0x3FC6] =	sst s2  }
0x7: {  	_ = 	snop  }
0x8: {  	s2 =	sld [smem:$0x3FD0];
	(tm) =	ssettm $0x1  }
0x9: {  	s19 =	sld [smem:$0x3FFB];
	_ =	sdelay $0x3  }
0xa: {  	_ =	strace s19  }
0xb: {  	s3 =	sld [smem:$0x3FFC];
	_ =	sdelay $0x3  }
0xc: {  	_ =	strace s3  }
0xd: {  	s3 =	sld [smem:$0x3FFD];
	_ =	sdelay $0x3  }
0xe: {  	_ =	strace s3  }
0xf: {  	_ =	strace $0x8FFFFFFF  }
0x10: {  	s20 =	sld [smem:$0x3FDB];
	_ =	sdelay $0x1  }
0x11: {  	s4 =	simm.s32 $_scs_section_size  }
0x12: {  	s5 =	simm.s32 $_size__tile_overlayer_lowered;
	s6 =	simm.s32 $_tile_overlayer_lowered  }
0x13: {  	s23 =	simm.s32 $0x1BFF;
	s22 =	sshll.u32 s6, $0x1;
	s3 =	sadd.s32 s4, s20  }
0x14: {  	s7 =	simm.s32 $0x0;
	s21 =	sshll.u32 s5, $0x1;
	s5 =	sadd.s32 s22, s3  }
0x15: {  	[timem:s7], [sflag:s23] =	dma.local [hbm:s5], s21  }
0x16: {  	_ =	swait.ge [sflag:s23], s21  }
0x17: {  	s4 =	ssub.s32 $0x0, s21;
	[sflag:s23] =	ssyncset.done $0x0  }
0x18: {  	[sflag:s23] =	ssyncadd.s32 s4;
	_ =	sdelay $0x1  }
0x19: {  	s24 =	simm.s32 $0x1B8B  }
0x1a: {  	_ =	swait.ge [sflag:s24], $0x1  }
0x1b: {  	[sflag:s24] =	ssyncset.done $0x0  }
0x1c: {  	s26 =	simm.s32 $0x1B8E;
	s25 =	sld [smem:$0x3FFE];
	[sflag:s24] =	ssyncadd.s32 $0xFFFFFFFF  }
0x1d: {  	s27 =	simm.s32 $execute0_lowered;
	[smem:$0x3FD2] =	sst s26  }
0x1e: {  	s5 =	sshll.u32 s27, $0x1;
	_ =	strace $0x80000049;
	[dreg:$0x1] =	wrdreg $0xFFFFFFFF  }
0x1f: {  	s28 =	simm.s32 $_size_execute0_lowered;
	s3 =	sadd.s32 s3, s5;
	[dreg:$0x0] =	wrdreg $0x0  }
0x20: {  	s5 =	sshll.u32 s28, $0x1;
	[dreg:$0x2] =	wrdreg s3  }
0x21: {  	[dreg:$0x3] =	wrdreg s5  }
0x22: {  	[dreg:$0x4] =	wrdreg $0xC0  }
0x23: {  	_ =	task [dreg:s7], $0x5FFFF  }
0x24: {  	[dreg:$0x1] =	wrdreg $0xFFFFFFFF  }
0x25: {  	[dreg:$0x0] =	wrdreg $0x60  }
0x26: {  	[dreg:$0x2] =	wrdreg s25  }
0x27: {  	[dreg:$0x3] =	wrdreg s2  }
0x28: {  	[dreg:$0x4] =	wrdreg $0x9  }
0x29: {  	_ =	task.clear_ibuf [dreg:s7], $0x5FFFF;
	_ =	strace $0x90000049  }
0x2a: {  	s29 =	simm.s32 $0x9;
	_ =	strace $0x8000004B  }
0x2b: {  	_ =	swait.ge [sflag:s29], $0x1  }
0x2c: {  	[sflag:s29] =	ssyncadd.s32 $0xFFFFFFFF  }
0x2d: {  	_ =	strace $0x9000004B  }
0x2e: {  	_ =	sfence  }
0x2f: {  	s30 =	sld [smem:$0x0];
	_ =	sdelay $0x2  }
0x30: {  	s31 =	sshll.u32 s1, $0xD;
	s1 =	sshrl.u32 s1, $0x2  }
0x31: {  	s3 =	sand.u32 $0x4000, s31;
	s1 =	sadd.s32 s1, s30  }
0x32: {  	s0 =	sor.u32 s3, s0;
	s1 =	sshll.u32 s1, $0x11  }
0x33: {  	s0 =	sor.u32 s1, s0  }
0x34: {  	s0 =	sadd.s32 $0x8F2B, s0  }
0x35: {  	[sflag:s0] =	ssyncadd.remote.s32 $0x1  }
0x36: {  	_ =	sfence.sel $0xFFFF  }
0x37: {  	[dreg:$0x0] =	wrdreg $0xFFFFFFFF;
	(pc) =	sbr.abs _section_cstart, $3  }
0x38: {  	[dreg:$0x1] =	wrdreg $0xFFFFFFFF  }
0x39: {  	_ =	task.clear_ibuf [dreg:s7], $0x2FFFF;
	_ =	strace $0x9FFFFFFF  }
0x3a: {  	(tm) =	ssettm $0x7FFFFFFF  }
0x3b: {  	_ =	shalt  }
tec
execute0_lowered:
.L_overlay_start_1:
0x0: {  	(tag) =	ssettag $0x1  }
0x1: {  	s0 =	srdreg.scid  }
0x2: {  	s1 =	sshll.u32 s0, $0x4  }
0x3: {  	s0 =	stileid.u32;
	s1 =	sand.u32 $0x10, s1  }
0x4: {  	s1 =	sor.u32 s0, s1  }
0x5: {  	s6 =	rddreg [dreg:$0x0];
	s4 =	simm.s32 $0x1;
	s2 =	sshll.u32 s1, $0x7  }
0x6: {  	s7 =	simm.s32 $0x2;
	s12 =	simm.s32 $0x0;
	s1 =	ssub.s32 $0x1000, s2  }
0x7: {  	s8 =	simm.s32 $0x8000;
	s13 =	simm.s32 $0x0;
	s3 =	sand.u32 $0xF80, s1  }
0x8: {  	s9 =	simm.s32 $0x0;
	s5 =	sshrl.u32 s1, $0xC;
	p0 =	sne.s32 s3, $0x0  }
.Ltmp0:
0x9: {  	s1 =	rddreg [dreg:$0x2];
	s4 =	simm.s32 @!p0 $0x0;
	(pc) =	sbr.rel .LBB1_1-.Ltmp0, $4  }
0xa: {  	s11 =	simm.s32 $0x0;
	s3 =	rddreg [dreg:$0x1];
	s5 =	sadd.s32 s4, s5  }
0xb: {  	_ =	strace $0x8000004A;
	s4 =	simm.s32 $0x1;
	s5 =	smul.u32 $0xC8, s5  }
0xc: {  	s6 =	sadd.s32 $0xA00, s6;
	s10 =	smov.u32 s2;
	[sflag:s4] =	ssyncpa.u1 $0x0  }
0xd: {  	p0 =	por $0x0, $0x0;
	[sflag:s7] =	ssyncpa.u1 $0x0;
	s7 =	sor.u32 $0x1, s5  }
.LBB1_4:
0xe: {  	s16 =	sshll.u32 s13, $0x3;
	s17 =	sand.u32 $0x78, s13  }
0xf: {  	s30 =	sand.u32 $0x7E00, s13;
	s12 =	sshll.u32 s12, $0xF;
	s16 =	sand.u32 $0xC00, s16  }
0x10: {  	[tilespmem:s15+$0x810 ss:$0x81] =	vst.msk $0xffff, v2;
	s31 =	sand.u32 $0x7, s13;
	s16 =	sor.u32 s17, s16;
	s17 =	sadd.s32 s3, s30  }
0x11: {  	[tilespmem:s15+$0x1020 ss:$0x81] =	vst.msk $0xffff, v0;
	s13 =	sshll.u32 s31, $0x12;
	s12 =	sadd.s32 s12, s17;
	s16 =	sshrl.u32 s16, $0x3  }
0x12: {  	[tilespmem:s15+$0x0 ss:$0x81] =	vst.msk $0xffff, v1;
	s13 =	sor.u32 $0x400, s13;
	s12 =	sadd.s32 s16, s12  }
0x13: {  	[hbm4b:s12+s13] =	stream.strided.scatter [tilespmem:s14], [sflag:$0x2], $0x2000, s8, s13, $0x20;
	[tilespmem:$0x8080] =	vst v63  }
.LBB1_5:
0x14: {  	s14 =	sadd.s32 $0x1, s9  }
0x15: {  	s12 =	sadd.s32 $0x1000, s10;
	s16 =	smov.u32 s10;
	p2 =	sgt.s32 s14, $0xC7  }
0x16: {  	s16 =	smov.u32 @p2 s12  }
0x17: {  	s14 =	simm.s32 @p2 $0x0;
	p2 =	sgt.s32 s16, $0xFFF  }
0x18: {  	s16 =	smov.u32 @p2 s2;
	p2 =	sne.s32 s11, s7  }
.Ltmp1:
0x19: {  	p1 =	slt.u32 s11, $0x2;
	(pc) =	sbr.rel @!p2 .LBB1_6-.Ltmp1, $4  }
0x1a: {  	s15 =	simm.s32 @!p1 $0x2  }
0x1b: {  	s13 =	smov.u32 s10;
	p0 =	por !p0, !p0;
	_ =	swait.ge @!p1 [sflag:s15], $0x2000  }
0x1c: {  	s12 =	smov.u32 s9;
	[sflag:s15] =	ssyncset.done @!p1 $0x0;
	s9 =	smov.u32 s14  }
0x1d: {  	s11 =	sadd.s32 $0x1, s11;
	[sflag:s15] =	ssyncadd.s32 @!p1 $0xFFFFE000;
	s10 =	smov.u32 s16  }
.LBB1_1:
0x1e: {  	p1 =	sge.u32 s11, s5  }
0x1f: {  	s14 =	sand.u32 @!p1 $0x1FFFFFF, s9  }
0x20: {  	s15 =	smulhi.u32 @!p1 $0x147AE15, s14;
	_ =	sdelay $0x1  }
0x21: {  	s15 =	smul.u32 @!p1 $0xC8, s15  }
0x22: {  	s16 =	sxor.u32 @!p1 $0xFFFFFFFF, s11;
	s17 =	smul.u32 @!p1 $0xC80, s10  }
0x23: {  	s31 =	sadd.s32 $0xFFFFFFFF, s11;
	s16 =	sshll.u32 @!p1 s16, $0xD;
	s14 =	ssub.s32 @!p1 s14, s15  }
0x24: {  	s15 =	sand.u32 @!p1 $0x2000, s16;
	s16 =	sadd.s32 @!p1 s6, s17;
	s14 =	sshll.u32 @!p1 s14, $0x4  }
0x25: {  	s17 =	simm.s32 @!p1 $0x6400;
	s14 =	sadd.s32 @!p1 s14, s16;
	s16 =	simm.s32 @!p1 $0x40  }
0x26: {  	[tilespmem:s15], [sflag:$0x1] =	stream.strided.gather @!p1 [hbm4b:s14+s16], $0x2000, s17, s16, $0x38;
	[tilespmem:$0x8080] =	vst v63  }
0x27: {  	p1 =	sge.u32 s31, s5  }
.Ltmp2:
0x28: {  	_ = 	snop;
	(pc) =	sbr.rel @p1 .LBB1_5-.Ltmp2, $1  }
0x29: {  	_ =	sdelay $0x3  }
0x2a: {  	s14 =	simm.s32 $0x1  }
0x2b: {  	_ =	swait.ge [sflag:s4], $0x2000;
	s14 =	simm.s32 @!p0 $0x0  }
0x2c: {  	[sflag:s4] =	ssyncset.done $0x0;
	s15 =	sshll.u32 s14, $0xD  }
0x2d: {  	[sflag:s4] =	ssyncadd.s32 $0xFFFFE000;
	s18 =	sor.u32 $0x20, s15  }
0x2e: {  	s14 =	smul.u32 $0x8100, s14;
	v3 =	vld [tilespmem:s18+$0x10]  }
0x2f: {  	s30 =	sand.u32 $0x1, s11;
	v2 =	vld [tilespmem:s18+$0xFFFFFFF0]  }
0x30: {  	s15 =	smul.u32 $0x8100, s30;
	s14 =	sshrl.u32 s14, $0x2;
	v0 =	vld [tilespmem:s18+$0x0]  }
0x31: {  	v1 =	vld [tilespmem:s18+$0xFFFFFFE0];
	s16 =	sor.u32 $0x4000, s14  }
0x32: {  	s31 =	sshrl.u32 s15, $0x2;
	s15 =	sadd.s32 $0x0, s16  }
0x33: {  	s17 =	simm.s32 $0x4;
	s18 =	sadd.s32 $0x40, s18;
	s14 =	sor.u32 $0x4000, s31;
	[tilespmem:s15+$0x1830 ss:$0x81] =	vst.msk $0xffff, v3  }
.LBB1_3:
0x34: {  	v3 =	vld [tilespmem:s18+$0x10];
	p1 =	sne.s32 s17, $0x1FC;
	[tilespmem:s15+$0x810 ss:$0x81] =	vst.msk $0xffff, v2;
	s19 =	smov.u32 s17;
	s17 =	sadd.s32 $0x4, s17  }
.Ltmp3:
0x35: {  	v2 =	vld [tilespmem:s18+$0xFFFFFFF0];
	[tilespmem:s15+$0x1020 ss:$0x81] =	vst.msk $0xffff, v0;
	(pc) =	sbr.rel @p1 .LBB1_3-.Ltmp3, $4  }
0x36: {  	v0 =	vld [tilespmem:s18+$0x0];
	[tilespmem:s15+$0x0 ss:$0x81] =	vst.msk $0xffff, v1  }
0x37: {  	s15 =	sshra.s32 s19, $0x2;
	v1 =	vld [tilespmem:s18+$0xFFFFFFE0]  }
0x38: {  	s15 =	sadd.s32 s15, s16  }
0x39: {  	s18 =	sadd.s32 $0x40, s18;
	[tilespmem:s15+$0x1830 ss:$0x81] =	vst.msk $0xffff, v3  }
.Ltmp4:
0x3a: {  	_ = 	snop;
	(pc) =	sbr.rel .LBB1_4-.Ltmp4, $1  }
0x3b: {  	_ =	sdelay $0x3  }
.LBB1_6:
0x3c: {  	_ =	sfence.sel $0x180000  }
0x3d: {  	s2 =	simm.s32 $0x1;
	[bflag:$0x0] =	sbarrier.arrive $0xFFFF  }
0x3e: {  	s31 =	simm.s32 $0x2;
	[sflag:s2] =	ssyncpa.u1 $0x1  }
0x3f: {  	[sflag:s31] =	ssyncpa.u1 $0x1  }
0x40: {  	p0 =	sne.s32 s0, $0x0;
	_ =	strace $0x9000004A  }
0x41: {  	s0 =	sadd.s32 @!p0 $0x100000, s1;
	[bflag:$0x2] =	sbarrier.arrive $0xFFFF  }
0x42: {  	[sflag:s0] =	ssyncadd.tile.s32 @!p0 $0x1;
	_ =	shalt  }
.Lfunc_end1:
_tile_overlayer_lowered:
.L_overlay_start_2:
0x43: {  	(tag) =	ssettag $0x2  }
0x44: {  	s0 =	rddreg [dreg:$0x0];
	s2 =	stileid.u32  }
0x45: {  	s1 =	rddreg [dreg:$0x1];
	p0 =	sne.s32 s2, $0x0  }
0x46: {  	s3 =	rddreg [dreg:$0x2];
	[bflag:$0x3] =	sbarrier.arrive $0xFFFF;
	s2 =	simm.s32 @!p0 $0x1C01  }
0x47: {  	[timem:s3], [sflag:s2] =	dma.local @!p0 [hbm:s0], s1  }
0x48: {  	s0 =	simm.s32 @!p0 $0x1  }
0x49: {  	_ =	swait.ge @!p0 [sflag:s0], s1  }
0x4a: {  	s1 =	ssub.s32 @!p0 $0x0, s1;
	[sflag:s0] =	ssyncset.done @!p0 $0x0  }
0x4b: {  	[sflag:s0] =	ssyncadd.s32 @!p0 s1  }
0x4c: {  	[bflag:$0x3] =	sbarrier.arrive $0xFFFF  }
0x4d: {  	_ =	shalt  }

</sc_bundles>
